<compile_context>
chip_gen: v7x
topology: tpu7x:2x2x1
jax: 0.10.2.dev20260603
libtpu: 0.0.44.dev20260713+nightly
codegen_flags: <defaults>
</compile_context>

<pallas_src>
import functools

import jax
import jax.numpy as jnp
from jax import lax
from jax.experimental import pallas as pl
from jax.experimental.pallas import tpu as pltpu
from jax.experimental.pallas import tpu_sc as plsc

N = 10000
E = 100000
IN_C = 32
OUT_C = 32
ATTR = 16
H1 = 256
H2 = 1024

NC = 2
NS = 16
NW = NC * NS
PK = 128 // IN_C

G_CHUNK = 128
G_PAD = 102400
G_BPW = G_PAD // NW
G_NCH = G_BPW // G_CHUNK

T_EDGE = 2048
TC_GRID = -(-E // T_EDGE)
E_MSG = TC_GRID * T_EDGE

S_CHUNK = 112
S_NCH = 28
S_BPW = S_CHUNK * S_NCH


def _gather_body(x_hbm, idx_hbm, out_hbm, idx_v, rows_v, sem):
    wid = lax.axis_index("s") * NC + lax.axis_index("c")
    pltpu.sync_copy(idx_hbm.at[pl.ds(wid * G_BPW, G_BPW)], idx_v)

    copies = [
        pltpu.async_copy(x_hbm.at[idx_v.at[pl.ds(j * G_CHUNK, G_CHUNK)]],
                         rows_v.at[pl.ds(j * G_CHUNK, G_CHUNK)], sem)
        for j in range(G_NCH)
    ]
    for c in copies:
        c.wait()
    pltpu.sync_copy(rows_v, out_hbm.at[pl.ds(wid * G_BPW, G_BPW)])


def _sc_gather(x, idx):
    mesh = plsc.VectorSubcoreMesh(core_axis_name="c", subcore_axis_name="s")
    k = functools.partial(
        pl.kernel, mesh=mesh,
        out_type=jax.ShapeDtypeStruct((G_PAD, IN_C), jnp.float32),
        scratch_types=[
            pltpu.VMEM((G_BPW,), jnp.int32),
            pltpu.VMEM((G_BPW, IN_C), jnp.float32),
            pltpu.SemaphoreType.DMA,
        ],
        compiler_params=pltpu.CompilerParams(use_tc_tiling_on_sc=False),
    )(_gather_body)
    return k(x, idx)


def _scatter_body(msg_hbm, dst_hbm, zeros_hbm, out_hbm,
                  idx_v, msg_v, acc, sem):
    cid = lax.axis_index("c")
    sid = lax.axis_index("s")
    wid = sid * NC + cid
    pltpu.sync_copy(dst_hbm.at[wid], idx_v)
    pltpu.sync_copy(msg_hbm.at[pl.ds(wid * S_BPW, S_BPW)], msg_v)

    @pl.when(sid < 10)
    def _():
        pltpu.sync_copy(zeros_hbm.at[pl.ds(0, 1000)],
                        acc.at[pl.ds(sid * 1000, 1000)])

    @pl.when(sid == 10)
    def _():
        pltpu.sync_copy(zeros_hbm.at[pl.ds(0, 8)],
                        acc.at[pl.ds(N, 8)])

    plsc.subcore_barrier()

    def body(j, carry):
        pltpu.sync_copy(msg_v.at[pl.ds(j * S_CHUNK, S_CHUNK)],
                        acc.at[idx_v.at[j]], add=True)
        return carry

    lax.fori_loop(0, S_NCH, body, 0)
    plsc.subcore_barrier()

    @pl.when(sid == 0)
    def _():
        pltpu.sync_copy(acc.at[pl.ds(0, N)], out_hbm.at[cid])


def _sc_scatter(msg, dst3, zeros):
    mesh = plsc.VectorSubcoreMesh(core_axis_name="c", subcore_axis_name="s")
    k = functools.partial(
        pl.kernel, mesh=mesh,
        out_type=jax.ShapeDtypeStruct((NC, N, OUT_C), jnp.float32),
        scratch_types=[
            pltpu.VMEM((S_NCH, S_CHUNK), jnp.int32),
            pltpu.VMEM((S_BPW, OUT_C), jnp.float32),
            pltpu.VMEM_SHARED((N + 8, OUT_C), jnp.float32),
            pltpu.SemaphoreType.DMA,
        ],
        compiler_params=pltpu.CompilerParams(use_tc_tiling_on_sc=False),
    )(_scatter_body)
    return k(msg, dst3, zeros)


def _elu(v):
    return jnp.maximum(v, jnp.exp(jnp.minimum(v, 0.0)) - 1.0)


_DN_T = (((0,), (0,)), ((), ()))


def _mlp_body(attrT_ref, xj_ref, w1_ref, b1_ref, w2_ref, b2_ref,
              w3_ref, b3_ref, q_ref, p_ref, out_ref):
    h = _elu(lax.dot_general(attrT_ref[...], w1_ref[...], _DN_T,
                             preferred_element_type=jnp.float32) + b1_ref[...])
    h = _elu(jnp.dot(h, w2_ref[...],
                     preferred_element_type=jnp.float32) + b2_ref[...])
    w = _elu(jnp.dot(h, w3_ref[...],
                     preferred_element_type=jnp.float32) + b3_ref[...])
    xb = jnp.dot(xj_ref[...], q_ref[...], preferred_element_type=jnp.float32)
    out_ref[...] = jnp.dot(xb * w, p_ref[...],
                           preferred_element_type=jnp.float32)


def _tc_mlp_msg(attrT, xj, W1, b1, W2, b2, W3, b3, Q, P):
    whole = lambda shape: pl.BlockSpec(shape, lambda g: (0, 0))
    return pl.pallas_call(
        _mlp_body,
        grid=(TC_GRID,),
        in_specs=[
            pl.BlockSpec((ATTR, T_EDGE), lambda g: (0, g)),
            pl.BlockSpec((T_EDGE, IN_C), lambda g: (g, 0)),
            whole((ATTR, H1)), whole((1, H1)),
            whole((H1, H2)), whole((1, H2)),
            whole((H2, IN_C * OUT_C)),
            whole((1, IN_C * OUT_C)),
            whole((IN_C, IN_C * OUT_C)), whole((IN_C * OUT_C, OUT_C)),
        ],
        out_specs=pl.BlockSpec((T_EDGE, OUT_C), lambda g: (g, 0)),
        out_shape=jax.ShapeDtypeStruct((E_MSG, OUT_C), jnp.float32),
    )(attrT, xj, W1, b1, W2, b2, W3, b3, Q, P)


def _root_body(x_ref, root_ref, bias_ref, out_ref):
    out_ref[...] = jnp.dot(x_ref[...], root_ref[...],
                           preferred_element_type=jnp.float32) + bias_ref[...]


def _tc_root(x, root, bias_r):
    return pl.pallas_call(
        _root_body,
        out_shape=jax.ShapeDtypeStruct((N, OUT_C), jnp.float32),
    )(x, root, bias_r)


def kernel(x, edge_index, edge_attr, W1, b1, W2, b2, W3, b3, root, bias):
    src = edge_index[0]
    dst = edge_index[1]
    src_p = jnp.pad(src, (0, G_PAD - E))
    dst3 = jnp.pad(dst, (0, E_MSG - E),
                   constant_values=N).reshape(NW, S_NCH, S_CHUNK)

    Q = jnp.kron(jnp.eye(IN_C, dtype=jnp.float32),
                 jnp.ones((1, OUT_C), dtype=jnp.float32))
    P = jnp.kron(jnp.ones((IN_C, 1), dtype=jnp.float32),
                 jnp.eye(OUT_C, dtype=jnp.float32))

    xj = _sc_gather(x, src_p)
    msg = _tc_mlp_msg(edge_attr.T, xj, W1, b1.reshape(1, H1),
                      W2, b2.reshape(1, H2), W3,
                      b3.reshape(1, IN_C * OUT_C), Q, P)
    out0 = _tc_root(x, root, bias.reshape(1, OUT_C))
    zeros = jnp.zeros((1000, OUT_C), dtype=jnp.float32)
    partials = _sc_scatter(msg, dst3, zeros)
    return partials[0] + partials[1] + out0

# --- scband reference (transcript-rebuilt; emitter-appended) ---
"""Pipeline reference for scband-edge-nnconv-9672266350626 (READ-ONLY COPY).

The authoritative reference and input builder live on the scoring server;
editing this copy changes nothing except your own understanding.
"""

import jax, jax.numpy as jnp
import numpy as np

N = 10000
E = 100000
IN_C = 32
OUT_C = 32
ATTR = 16
H1 = 256
H2 = 1024


def setup_inputs(seed: int = 0) -> dict:
    key = jax.random.key(seed)
    ks = jax.random.split(key, 12)
    x = jax.random.normal(ks[0], (N, IN_C), dtype=jnp.float32)
    edge_index = jax.random.randint(ks[1], (2, E), 0, N, dtype=jnp.int32)
    edge_attr = jax.random.normal(ks[2], (E, ATTR), dtype=jnp.float32)
    # edge MLP params: attr_dim -> 256 -> 1024 -> in*out, ELU after every layer
    W1 = jax.random.normal(ks[3], (ATTR, H1), dtype=jnp.float32) * (1.0 / np.sqrt(ATTR))
    b1 = jnp.zeros((H1,), dtype=jnp.float32)
    W2 = jax.random.normal(ks[4], (H1, H2), dtype=jnp.float32) * (1.0 / np.sqrt(H1))
    b2 = jnp.zeros((H2,), dtype=jnp.float32)
    W3 = jax.random.normal(ks[5], (H2, IN_C * OUT_C), dtype=jnp.float32) * (1.0 / np.sqrt(H2))
    b3 = jnp.zeros((IN_C * OUT_C,), dtype=jnp.float32)
    # NNConv root weight (Linear(in, out, bias=False)) and bias
    root = jax.random.normal(ks[6], (IN_C, OUT_C), dtype=jnp.float32) * (1.0 / np.sqrt(IN_C))
    bias = jnp.zeros((OUT_C,), dtype=jnp.float32)
    return {"x": x, "edge_index": edge_index, "edge_attr": edge_attr,
            "W1": W1, "b1": b1, "W2": W2, "b2": b2, "W3": W3, "b3": b3,
            "root": root, "bias": bias}


def reference(x, edge_index, edge_attr, W1, b1, W2, b2, W3, b3, root, bias):
    # edge MLP: attr -> per-edge weight matrix [E, in, out], ELU after each layer
    h = jax.nn.elu(edge_attr @ W1 + b1)
    h = jax.nn.elu(h @ W2 + b2)
    w = jax.nn.elu(h @ W3 + b3).reshape(-1, IN_C, OUT_C)
    src = edge_index[0]
    dst = edge_index[1]
    # message: x_j @ W_e  (gather source features, per-edge matmul)
    x_j = jnp.take(x, src, axis=0)
    msg = jnp.einsum('ei,eio->eo', x_j, w)
    # aggregate (NNConv default aggr='add') via scatter-add on dst
    aggr = jax.ops.segment_sum(msg, dst, num_segments=x.shape[0])
    # root weight + bias
    out = aggr + x @ root + bias
    return out

if __name__ == "__main__":
    import jax
    _d = setup_inputs()
    print(jax.jit(kernel)(*tuple(_d.values())))

</pallas_src>

<mosaic_0001>
#map = affine_map<(d0, d1) -> (0, 0)>
#map1 = affine_map<(d0, d1) -> (0)>
module attributes {stable_mosaic.version = 14 : i64} {
  func.func @_gather_body(%arg0: i32, %arg1: i32, %arg2: memref<10000x32xf32, #tpu.memory_space<hbm>>, %arg3: memref<102400xi32, #tpu.memory_space<hbm>>, %arg4: memref<102400x32xf32, #tpu.memory_space<hbm>>, %arg5: memref<3200xi32, #tpu.memory_space<vmem>>, %arg6: memref<3200x32xf32, #tpu.memory_space<vmem>>, %arg7: memref<!tpu.dma_semaphore, #tpu.memory_space<semaphore_mem>>) attributes {dimension_semantics = [#tpu.dimension_semantics<core_parallel>, #tpu.dimension_semantics<subcore_parallel>], iteration_bounds = array<i64: 2, 16>, scalar_prefetch = 0 : i64, scratch_operands = 3 : i64, tpu.core_type = #tpu.core_type<sc_vector_subcore>, window_params = [{transform_indices = #map}, {transform_indices = #map1}, {transform_indices = #map}]} {
    %mul3A = arith.constant 2 : i32
    %mul3A_0 = arith.muli %arg1, %mul3A : i32
    %add3A = arith.addi %mul3A_0, %arg0 : i32
    %mul3A_1 = arith.constant 3200 : i32
    %mul3A_2 = arith.muli %add3A, %mul3A_1 : i32
    "tpu.region"() ({
      %run_scoped3A = tpu.sem_alloc : memref<!tpu.dma_semaphore, #tpu.memory_space<semaphore_mem>>
      %dma_start3A_403 = tpu.memref_slice %arg3[%mul3A_2] : memref<102400xi32, #tpu.memory_space<hbm>> -> memref<3200xi32, #tpu.memory_space<hbm>>
      %dma_start3A_404 = tpu.memref_slice %arg3[%mul3A_2] : memref<102400xi32, #tpu.memory_space<hbm>> -> memref<3200xi32, #tpu.memory_space<hbm>>
      tpu.enqueue_dma source(%dma_start3A_404 : memref<3200xi32, #tpu.memory_space<hbm>>) target(%arg5 : memref<3200xi32, #tpu.memory_space<vmem>>) target_semaphore(%run_scoped3A : memref<!tpu.dma_semaphore, #tpu.memory_space<semaphore_mem>>)
      %dma_wait3A_405 = tpu.memref_slice %arg3[%mul3A_2] : memref<102400xi32, #tpu.memory_space<hbm>> -> memref<3200xi32, #tpu.memory_space<hbm>>
      %dma_wait3A_406 = tpu.memref_slice %arg3[%mul3A_2] : memref<102400xi32, #tpu.memory_space<hbm>> -> memref<3200xi32, #tpu.memory_space<hbm>>
      tpu.wait_dma2 semaphore(%run_scoped3A : memref<!tpu.dma_semaphore, #tpu.memory_space<semaphore_mem>>) src(%dma_wait3A_406 : memref<3200xi32, #tpu.memory_space<hbm>>) dst(%arg5 : memref<3200xi32, #tpu.memory_space<vmem>>)
      tpu.yield
    }) : () -> ()
    %dma_start3A = arith.constant 0 : i32
    %dma_start3A_3 = arith.constant 0 : i32
    %dma_start3A_4 = tpu.memref_slice %arg6[%dma_start3A, %dma_start3A_3] : memref<3200x32xf32, #tpu.memory_space<vmem>> -> memref<128x32xf32, #tpu.memory_space<vmem>>
    %dma_start3A_5 = arith.constant 0 : i32
    %dma_start3A_6 = tpu.memref_slice %arg5[%dma_start3A_5] : memref<3200xi32, #tpu.memory_space<vmem>> -> memref<128xi32, #tpu.memory_space<vmem>>
    %dma_start3A_7 = arith.constant 0 : i32
    %dma_start3A_8 = arith.constant 0 : i32
    %dma_start3A_9 = tpu.memref_slice %arg2[%dma_start3A_7, %dma_start3A_8] : memref<10000x32xf32, #tpu.memory_space<hbm>> -> memref<10000x32xf32, #tpu.memory_space<hbm>>
    tpu.enqueue_indirect_dma source(%dma_start3A_9 : memref<10000x32xf32, #tpu.memory_space<hbm>>) target(%dma_start3A_4 : memref<128x32xf32, #tpu.memory_space<vmem>>) offsets(%dma_start3A_6 : memref<128xi32, #tpu.memory_space<vmem>>) semaphore(%arg7 : memref<!tpu.dma_semaphore, #tpu.memory_space<semaphore_mem>>)
    %dma_start3A_10 = arith.constant 128 : i32
    %dma_start3A_11 = arith.constant 0 : i32
    %dma_start3A_12 = tpu.memref_slice %arg6[%dma_start3A_10, %dma_start3A_11] : memref<3200x32xf32, #tpu.memory_space<vmem>> -> memref<128x32xf32, #tpu.memory_space<vmem>>
    %dma_start3A_13 = arith.constant 128 : i32
    %dma_start3A_14 = tpu.memref_slice %arg5[%dma_start3A_13] : memref<3200xi32, #tpu.memory_space<vmem>> -> memref<128xi32, #tpu.memory_space<vmem>>
    %dma_start3A_15 = arith.constant 0 : i32
    %dma_start3A_16 = arith.constant 0 : i32
    %dma_start3A_17 = tpu.memref_slice %arg2[%dma_start3A_15, %dma_start3A_16] : memref<10000x32xf32, #tpu.memory_space<hbm>> -> memref<10000x32xf32, #tpu.memory_space<hbm>>
    tpu.enqueue_indirect_dma source(%dma_start3A_17 : memref<10000x32xf32, #tpu.memory_space<hbm>>) target(%dma_start3A_12 : memref<128x32xf32, #tpu.memory_space<vmem>>) offsets(%dma_start3A_14 : memref<128xi32, #tpu.memory_space<vmem>>) semaphore(%arg7 : memref<!tpu.dma_semaphore, #tpu.memory_space<semaphore_mem>>)
    %dma_start3A_18 = arith.constant 256 : i32
    %dma_start3A_19 = arith.constant 0 : i32
    %dma_start3A_20 = tpu.memref_slice %arg6[%dma_start3A_18, %dma_start3A_19] : memref<3200x32xf32, #tpu.memory_space<vmem>> -> memref<128x32xf32, #tpu.memory_space<vmem>>
    %dma_start3A_21 = arith.constant 256 : i32
    %dma_start3A_22 = tpu.memref_slice %arg5[%dma_start3A_21] : memref<3200xi32, #tpu.memory_space<vmem>> -> memref<128xi32, #tpu.memory_space<vmem>>
    %dma_start3A_23 = arith.constant 0 : i32
    %dma_start3A_24 = arith.constant 0 : i32
    %dma_start3A_25 = tpu.memref_slice %arg2[%dma_start3A_23, %dma_start3A_24] : memref<10000x32xf32, #tpu.memory_space<hbm>> -> memref<10000x32xf32, #tpu.memory_space<hbm>>
    tpu.enqueue_indirect_dma source(%dma_start3A_25 : memref<10000x32xf32, #tpu.memory_space<hbm>>) target(%dma_start3A_20 : memref<128x32xf32, #tpu.memory_space<vmem>>) offsets(%dma_start3A_22 : memref<128xi32, #tpu.memory_space<vmem>>) semaphore(%arg7 : memref<!tpu.dma_semaphore, #tpu.memory_space<semaphore_mem>>)
    %dma_start3A_26 = arith.constant 384 : i32
    %dma_start3A_27 = arith.constant 0 : i32
    %dma_start3A_28 = tpu.memref_slice %arg6[%dma_start3A_26, %dma_start3A_27] : memref<3200x32xf32, #tpu.memory_space<vmem>> -> memref<128x32xf32, #tpu.memory_space<vmem>>
    %dma_start3A_29 = arith.constant 384 : i32
    %dma_start3A_30 = tpu.memref_slice %arg5[%dma_start3A_29] : memref<3200xi32, #tpu.memory_space<vmem>> -> memref<128xi32, #tpu.memory_space<vmem>>
    %dma_start3A_31 = arith.constant 0 : i32
    %dma_start3A_32 = arith.constant 0 : i32
    %dma_start3A_33 = tpu.memref_slice %arg2[%dma_start3A_31, %dma_start3A_32] : memref<10000x32xf32, #tpu.memory_space<hbm>> -> memref<10000x32xf32, #tpu.memory_space<hbm>>
    tpu.enqueue_indirect_dma source(%dma_start3A_33 : memref<10000x32xf32, #tpu.memory_space<hbm>>) target(%dma_start3A_28 : memref<128x32xf32, #tpu.memory_space<vmem>>) offsets(%dma_start3A_30 : memref<128xi32, #tpu.memory_space<vmem>>) semaphore(%arg7 : memref<!tpu.dma_semaphore, #tpu.memory_space<semaphore_mem>>)
    %dma_start3A_34 = arith.constant 512 : i32
    %dma_start3A_35 = arith.constant 0 : i32
    %dma_start3A_36 = tpu.memref_slice %arg6[%dma_start3A_34, %dma_start3A_35] : memref<3200x32xf32, #tpu.memory_space<vmem>> -> memref<128x32xf32, #tpu.memory_space<vmem>>
    %dma_start3A_37 = arith.constant 512 : i32
    %dma_start3A_38 = tpu.memref_slice %arg5[%dma_start3A_37] : memref<3200xi32, #tpu.memory_space<vmem>> -> memref<128xi32, #tpu.memory_space<vmem>>
    %dma_start3A_39 = arith.constant 0 : i32
    %dma_start3A_40 = arith.constant 0 : i32
    %dma_start3A_41 = tpu.memref_slice %arg2[%dma_start3A_39, %dma_start3A_40] : memref<10000x32xf32, #tpu.memory_space<hbm>> -> memref<10000x32xf32, #tpu.memory_space<hbm>>
    tpu.enqueue_indirect_dma source(%dma_start3A_41 : memref<10000x32xf32, #tpu.memory_space<hbm>>) target(%dma_start3A_36 : memref<128x32xf32, #tpu.memory_space<vmem>>) offsets(%dma_start3A_38 : memref<128xi32, #tpu.memory_space<vmem>>) semaphore(%arg7 : memref<!tpu.dma_semaphore, #tpu.memory_space<semaphore_mem>>)
    %dma_start3A_42 = arith.constant 640 : i32
    %dma_start3A_43 = arith.constant 0 : i32
    %dma_start3A_44 = tpu.memref_slice %arg6[%dma_start3A_42, %dma_start3A_43] : memref<3200x32xf32, #tpu.memory_space<vmem>> -> memref<128x32xf32, #tpu.memory_space<vmem>>
    %dma_start3A_45 = arith.constant 640 : i32
    %dma_start3A_46 = tpu.memref_slice %arg5[%dma_start3A_45] : memref<3200xi32, #tpu.memory_space<vmem>> -> memref<128xi32, #tpu.memory_space<vmem>>
    %dma_start3A_47 = arith.constant 0 : i32
    %dma_start3A_48 = arith.constant 0 : i32
    %dma_start3A_49 = tpu.memref_slice %arg2[%dma_start3A_47, %dma_start3A_48] : memref<10000x32xf32, #tpu.memory_space<hbm>> -> memref<10000x32xf32, #tpu.memory_space<hbm>>
    tpu.enqueue_indirect_dma source(%dma_start3A_49 : memref<10000x32xf32, #tpu.memory_space<hbm>>) target(%dma_start3A_44 : memref<128x32xf32, #tpu.memory_space<vmem>>) offsets(%dma_start3A_46 : memref<128xi32, #tpu.memory_space<vmem>>) semaphore(%arg7 : memref<!tpu.dma_semaphore, #tpu.memory_space<semaphore_mem>>)
    %dma_start3A_50 = arith.constant 768 : i32
    %dma_start3A_51 = arith.constant 0 : i32
    %dma_start3A_52 = tpu.memref_slice %arg6[%dma_start3A_50, %dma_start3A_51] : memref<3200x32xf32, #tpu.memory_space<vmem>> -> memref<128x32xf32, #tpu.memory_space<vmem>>
    %dma_start3A_53 = arith.constant 768 : i32
    %dma_start3A_54 = tpu.memref_slice %arg5[%dma_start3A_53] : memref<3200xi32, #tpu.memory_space<vmem>> -> memref<128xi32, #tpu.memory_space<vmem>>
    %dma_start3A_55 = arith.constant 0 : i32
    %dma_start3A_56 = arith.constant 0 : i32
    %dma_start3A_57 = tpu.memref_slice %arg2[%dma_start3A_55, %dma_start3A_56] : memref<10000x32xf32, #tpu.memory_space<hbm>> -> memref<10000x32xf32, #tpu.memory_space<hbm>>
    tpu.enqueue_indirect_dma source(%dma_start3A_57 : memref<10000x32xf32, #tpu.memory_space<hbm>>) target(%dma_start3A_52 : memref<128x32xf32, #tpu.memory_space<vmem>>) offsets(%dma_start3A_54 : memref<128xi32, #tpu.memory_space<vmem>>) semaphore(%arg7 : memref<!tpu.dma_semaphore, #tpu.memory_space<semaphore_mem>>)
    %dma_start3A_58 = arith.constant 896 : i32
    %dma_start3A_59 = arith.constant 0 : i32
    %dma_start3A_60 = tpu.memref_slice %arg6[%dma_start3A_58, %dma_start3A_59] : memref<3200x32xf32, #tpu.memory_space<vmem>> -> memref<128x32xf32, #tpu.memory_space<vmem>>
    %dma_start3A_61 = arith.constant 896 : i32
    %dma_start3A_62 = tpu.memref_slice %arg5[%dma_start3A_61] : memref<3200xi32, #tpu.memory_space<vmem>> -> memref<128xi32, #tpu.memory_space<vmem>>
    %dma_start3A_63 = arith.constant 0 : i32
    %dma_start3A_64 = arith.constant 0 : i32
    %dma_start3A_65 = tpu.memref_slice %arg2[%dma_start3A_63, %dma_start3A_64] : memref<10000x32xf32, #tpu.memory_space<hbm>> -> memref<10000x32xf32, #tpu.memory_space<hbm>>
    tpu.enqueue_indirect_dma source(%dma_start3A_65 : memref<10000x32xf32, #tpu.memory_space<hbm>>) target(%dma_start3A_60 : memref<128x32xf32, #tpu.memory_space<vmem>>) offsets(%dma_start3A_62 : memref<128xi32, #tpu.memory_space<vmem>>) semaphore(%arg7 : memref<!tpu.dma_semaphore, #tpu.memory_space<semaphore_mem>>)
    %dma_start3A_66 = arith.constant 1024 : i32
    %dma_start3A_67 = arith.constant 0 : i32
    %dma_start3A_68 = tpu.memref_slice %arg6[%dma_start3A_66, %dma_start3A_67] : memref<3200x32xf32, #tpu.memory_space<vmem>> -> memref<128x32xf32, #tpu.memory_space<vmem>>
    %dma_start3A_69 = arith.constant 1024 : i32
    %dma_start3A_70 = tpu.memref_slice %arg5[%dma_start3A_69] : memref<3200xi32, #tpu.memory_space<vmem>> -> memref<128xi32, #tpu.memory_space<vmem>>
    %dma_start3A_71 = arith.constant 0 : i32
    %dma_start3A_72 = arith.constant 0 : i32
    %dma_start3A_73 = tpu.memref_slice %arg2[%dma_start3A_71, %dma_start3A_72] : memref<10000x32xf32, #tpu.memory_space<hbm>> -> memref<10000x32xf32, #tpu.memory_space<hbm>>
    tpu.enqueue_indirect_dma source(%dma_start3A_73 : memref<10000x32xf32, #tpu.memory_space<hbm>>) target(%dma_start3A_68 : memref<128x32xf32, #tpu.memory_space<vmem>>) offsets(%dma_start3A_70 : memref<128xi32, #tpu.memory_space<vmem>>) semaphore(%arg7 : memref<!tpu.dma_semaphore, #tpu.memory_space<semaphore_mem>>)
    %dma_start3A_74 = arith.constant 1152 : i32
    %dma_start3A_75 = arith.constant 0 : i32
    %dma_start3A_76 = tpu.memref_slice %arg6[%dma_start3A_74, %dma_start3A_75] : memref<3200x32xf32, #tpu.memory_space<vmem>> -> memref<128x32xf32, #tpu.memory_space<vmem>>
    %dma_start3A_77 = arith.constant 1152 : i32
    %dma_start3A_78 = tpu.memref_slice %arg5[%dma_start3A_77] : memref<3200xi32, #tpu.memory_space<vmem>> -> memref<128xi32, #tpu.memory_space<vmem>>
    %dma_start3A_79 = arith.constant 0 : i32
    %dma_start3A_80 = arith.constant 0 : i32
    %dma_start3A_81 = tpu.memref_slice %arg2[%dma_start3A_79, %dma_start3A_80] : memref<10000x32xf32, #tpu.memory_space<hbm>> -> memref<10000x32xf32, #tpu.memory_space<hbm>>
    tpu.enqueue_indirect_dma source(%dma_start3A_81 : memref<10000x32xf32, #tpu.memory_space<hbm>>) target(%dma_start3A_76 : memref<128x32xf32, #tpu.memory_space<vmem>>) offsets(%dma_start3A_78 : memref<128xi32, #tpu.memory_space<vmem>>) semaphore(%arg7 : memref<!tpu.dma_semaphore, #tpu.memory_space<semaphore_mem>>)
    %dma_start3A_82 = arith.constant 1280 : i32
    %dma_start3A_83 = arith.constant 0 : i32
    %dma_start3A_84 = tpu.memref_slice %arg6[%dma_start3A_82, %dma_start3A_83] : memref<3200x32xf32, #tpu.memory_space<vmem>> -> memref<128x32xf32, #tpu.memory_space<vmem>>
    %dma_start3A_85 = arith.constant 1280 : i32
    %dma_start3A_86 = tpu.memref_slice %arg5[%dma_start3A_85] : memref<3200xi32, #tpu.memory_space<vmem>> -> memref<128xi32, #tpu.memory_space<vmem>>
    %dma_start3A_87 = arith.constant 0 : i32
    %dma_start3A_88 = arith.constant 0 : i32
    %dma_start3A_89 = tpu.memref_slice %arg2[%dma_start3A_87, %dma_start3A_88] : memref<10000x32xf32, #tpu.memory_space<hbm>> -> memref<10000x32xf32, #tpu.memory_space<hbm>>
    tpu.enqueue_indirect_dma source(%dma_start3A_89 : memref<10000x32xf32, #tpu.memory_space<hbm>>) target(%dma_start3A_84 : memref<128x32xf32, #tpu.memory_space<vmem>>) offsets(%dma_start3A_86 : memref<128xi32, #tpu.memory_space<vmem>>) semaphore(%arg7 : memref<!tpu.dma_semaphore, #tpu.memory_space<semaphore_mem>>)
    %dma_start3A_90 = arith.constant 1408 : i32
    %dma_start3A_91 = arith.constant 0 : i32
    %dma_start3A_92 = tpu.memref_slice %arg6[%dma_start3A_90, %dma_start3A_91] : memref<3200x32xf32, #tpu.memory_space<vmem>> -> memref<128x32xf32, #tpu.memory_space<vmem>>
    %dma_start3A_93 = arith.constant 1408 : i32
    %dma_start3A_94 = tpu.memref_slice %arg5[%dma_start3A_93] : memref<3200xi32, #tpu.memory_space<vmem>> -> memref<128xi32, #tpu.memory_space<vmem>>
    %dma_start3A_95 = arith.constant 0 : i32
    %dma_start3A_96 = arith.constant 0 : i32
    %dma_start3A_97 = tpu.memref_slice %arg2[%dma_start3A_95, %dma_start3A_96] : memref<10000x32xf32, #tpu.memory_space<hbm>> -> memref<10000x32xf32, #tpu.memory_space<hbm>>
    tpu.enqueue_indirect_dma source(%dma_start3A_97 : memref<10000x32xf32, #tpu.memory_space<hbm>>) target(%dma_start3A_92 : memref<128x32xf32, #tpu.memory_space<vmem>>) offsets(%dma_start3A_94 : memref<128xi32, #tpu.memory_space<vmem>>) semaphore(%arg7 : memref<!tpu.dma_semaphore, #tpu.memory_space<semaphore_mem>>)
    %dma_start3A_98 = arith.constant 1536 : i32
    %dma_start3A_99 = arith.constant 0 : i32
    %dma_start3A_100 = tpu.memref_slice %arg6[%dma_start3A_98, %dma_start3A_99] : memref<3200x32xf32, #tpu.memory_space<vmem>> -> memref<128x32xf32, #tpu.memory_space<vmem>>
    %dma_start3A_101 = arith.constant 1536 : i32
    %dma_start3A_102 = tpu.memref_slice %arg5[%dma_start3A_101] : memref<3200xi32, #tpu.memory_space<vmem>> -> memref<128xi32, #tpu.memory_space<vmem>>
    %dma_start3A_103 = arith.constant 0 : i32
    %dma_start3A_104 = arith.constant 0 : i32
    %dma_start3A_105 = tpu.memref_slice %arg2[%dma_start3A_103, %dma_start3A_104] : memref<10000x32xf32, #tpu.memory_space<hbm>> -> memref<10000x32xf32, #tpu.memory_space<hbm>>
    tpu.enqueue_indirect_dma source(%dma_start3A_105 : memref<10000x32xf32, #tpu.memory_space<hbm>>) target(%dma_start3A_100 : memref<128x32xf32, #tpu.memory_space<vmem>>) offsets(%dma_start3A_102 : memref<128xi32, #tpu.memory_space<vmem>>) semaphore(%arg7 : memref<!tpu.dma_semaphore, #tpu.memory_space<semaphore_mem>>)
    %dma_start3A_106 = arith.constant 1664 : i32
    %dma_start3A_107 = arith.constant 0 : i32
    %dma_start3A_108 = tpu.memref_slice %arg6[%dma_start3A_106, %dma_start3A_107] : memref<3200x32xf32, #tpu.memory_space<vmem>> -> memref<128x32xf32, #tpu.memory_space<vmem>>
    %dma_start3A_109 = arith.constant 1664 : i32
    %dma_start3A_110 = tpu.memref_slice %arg5[%dma_start3A_109] : memref<3200xi32, #tpu.memory_space<vmem>> -> memref<128xi32, #tpu.memory_space<vmem>>
    %dma_start3A_111 = arith.constant 0 : i32
    %dma_start3A_112 = arith.constant 0 : i32
    %dma_start3A_113 = tpu.memref_slice %arg2[%dma_start3A_111, %dma_start3A_112] : memref<10000x32xf32, #tpu.memory_space<hbm>> -> memref<10000x32xf32, #tpu.memory_space<hbm>>
    tpu.enqueue_indirect_dma source(%dma_start3A_113 : memref<10000x32xf32, #tpu.memory_space<hbm>>) target(%dma_start3A_108 : memref<128x32xf32, #tpu.memory_space<vmem>>) offsets(%dma_start3A_110 : memref<128xi32, #tpu.memory_space<vmem>>) semaphore(%arg7 : memref<!tpu.dma_semaphore, #tpu.memory_space<semaphore_mem>>)
    %dma_start3A_114 = arith.constant 1792 : i32
    %dma_start3A_115 = arith.constant 0 : i32
    %dma_start3A_116 = tpu.memref_slice %arg6[%dma_start3A_114, %dma_start3A_115] : memref<3200x32xf32, #tpu.memory_space<vmem>> -> memref<128x32xf32, #tpu.memory_space<vmem>>
    %dma_start3A_117 = arith.constant 1792 : i32
    %dma_start3A_118 = tpu.memref_slice %arg5[%dma_start3A_117] : memref<3200xi32, #tpu.memory_space<vmem>> -> memref<128xi32, #tpu.memory_space<vmem>>
    %dma_start3A_119 = arith.constant 0 : i32
    %dma_start3A_120 = arith.constant 0 : i32
    %dma_start3A_121 = tpu.memref_slice %arg2[%dma_start3A_119, %dma_start3A_120] : memref<10000x32xf32, #tpu.memory_space<hbm>> -> memref<10000x32xf32, #tpu.memory_space<hbm>>
    tpu.enqueue_indirect_dma source(%dma_start3A_121 : memref<10000x32xf32, #tpu.memory_space<hbm>>) target(%dma_start3A_116 : memref<128x32xf32, #tpu.memory_space<vmem>>) offsets(%dma_start3A_118 : memref<128xi32, #tpu.memory_space<vmem>>) semaphore(%arg7 : memref<!tpu.dma_semaphore, #tpu.memory_space<semaphore_mem>>)
    %dma_start3A_122 = arith.constant 1920 : i32
    %dma_start3A_123 = arith.constant 0 : i32
    %dma_start3A_124 = tpu.memref_slice %arg6[%dma_start3A_122, %dma_start3A_123] : memref<3200x32xf32, #tpu.memory_space<vmem>> -> memref<128x32xf32, #tpu.memory_space<vmem>>
    %dma_start3A_125 = arith.constant 1920 : i32
    %dma_start3A_126 = tpu.memref_slice %arg5[%dma_start3A_125] : memref<3200xi32, #tpu.memory_space<vmem>> -> memref<128xi32, #tpu.memory_space<vmem>>
    %dma_start3A_127 = arith.constant 0 : i32
    %dma_start3A_128 = arith.constant 0 : i32
    %dma_start3A_129 = tpu.memref_slice %arg2[%dma_start3A_127, %dma_start3A_128] : memref<10000x32xf32, #tpu.memory_space<hbm>> -> memref<10000x32xf32, #tpu.memory_space<hbm>>
    tpu.enqueue_indirect_dma source(%dma_start3A_129 : memref<10000x32xf32, #tpu.memory_space<hbm>>) target(%dma_start3A_124 : memref<128x32xf32, #tpu.memory_space<vmem>>) offsets(%dma_start3A_126 : memref<128xi32, #tpu.memory_space<vmem>>) semaphore(%arg7 : memref<!tpu.dma_semaphore, #tpu.memory_space<semaphore_mem>>)
    %dma_start3A_130 = arith.constant 2048 : i32
    %dma_start3A_131 = arith.constant 0 : i32
    %dma_start3A_132 = tpu.memref_slice %arg6[%dma_start3A_130, %dma_start3A_131] : memref<3200x32xf32, #tpu.memory_space<vmem>> -> memref<128x32xf32, #tpu.memory_space<vmem>>
    %dma_start3A_133 = arith.constant 2048 : i32
    %dma_start3A_134 = tpu.memref_slice %arg5[%dma_start3A_133] : memref<3200xi32, #tpu.memory_space<vmem>> -> memref<128xi32, #tpu.memory_space<vmem>>
    %dma_start3A_135 = arith.constant 0 : i32
    %dma_start3A_136 = arith.constant 0 : i32
    %dma_start3A_137 = tpu.memref_slice %arg2[%dma_start3A_135, %dma_start3A_136] : memref<10000x32xf32, #tpu.memory_space<hbm>> -> memref<10000x32xf32, #tpu.memory_space<hbm>>
    tpu.enqueue_indirect_dma source(%dma_start3A_137 : memref<10000x32xf32, #tpu.memory_space<hbm>>) target(%dma_start3A_132 : memref<128x32xf32, #tpu.memory_space<vmem>>) offsets(%dma_start3A_134 : memref<128xi32, #tpu.memory_space<vmem>>) semaphore(%arg7 : memref<!tpu.dma_semaphore, #tpu.memory_space<semaphore_mem>>)
    %dma_start3A_138 = arith.constant 2176 : i32
    %dma_start3A_139 = arith.constant 0 : i32
    %dma_start3A_140 = tpu.memref_slice %arg6[%dma_start3A_138, %dma_start3A_139] : memref<3200x32xf32, #tpu.memory_space<vmem>> -> memref<128x32xf32, #tpu.memory_space<vmem>>
    %dma_start3A_141 = arith.constant 2176 : i32
    %dma_start3A_142 = tpu.memref_slice %arg5[%dma_start3A_141] : memref<3200xi32, #tpu.memory_space<vmem>> -> memref<128xi32, #tpu.memory_space<vmem>>
    %dma_start3A_143 = arith.constant 0 : i32
    %dma_start3A_144 = arith.constant 0 : i32
    %dma_start3A_145 = tpu.memref_slice %arg2[%dma_start3A_143, %dma_start3A_144] : memref<10000x32xf32, #tpu.memory_space<hbm>> -> memref<10000x32xf32, #tpu.memory_space<hbm>>
    tpu.enqueue_indirect_dma source(%dma_start3A_145 : memref<10000x32xf32, #tpu.memory_space<hbm>>) target(%dma_start3A_140 : memref<128x32xf32, #tpu.memory_space<vmem>>) offsets(%dma_start3A_142 : memref<128xi32, #tpu.memory_space<vmem>>) semaphore(%arg7 : memref<!tpu.dma_semaphore, #tpu.memory_space<semaphore_mem>>)
    %dma_start3A_146 = arith.constant 2304 : i32
    %dma_start3A_147 = arith.constant 0 : i32
    %dma_start3A_148 = tpu.memref_slice %arg6[%dma_start3A_146, %dma_start3A_147] : memref<3200x32xf32, #tpu.memory_space<vmem>> -> memref<128x32xf32, #tpu.memory_space<vmem>>
    %dma_start3A_149 = arith.constant 2304 : i32
    %dma_start3A_150 = tpu.memref_slice %arg5[%dma_start3A_149] : memref<3200xi32, #tpu.memory_space<vmem>> -> memref<128xi32, #tpu.memory_space<vmem>>
    %dma_start3A_151 = arith.constant 0 : i32
    %dma_start3A_152 = arith.constant 0 : i32
    %dma_start3A_153 = tpu.memref_slice %arg2[%dma_start3A_151, %dma_start3A_152] : memref<10000x32xf32, #tpu.memory_space<hbm>> -> memref<10000x32xf32, #tpu.memory_space<hbm>>
    tpu.enqueue_indirect_dma source(%dma_start3A_153 : memref<10000x32xf32, #tpu.memory_space<hbm>>) target(%dma_start3A_148 : memref<128x32xf32, #tpu.memory_space<vmem>>) offsets(%dma_start3A_150 : memref<128xi32, #tpu.memory_space<vmem>>) semaphore(%arg7 : memref<!tpu.dma_semaphore, #tpu.memory_space<semaphore_mem>>)
    %dma_start3A_154 = arith.constant 2432 : i32
    %dma_start3A_155 = arith.constant 0 : i32
    %dma_start3A_156 = tpu.memref_slice %arg6[%dma_start3A_154, %dma_start3A_155] : memref<3200x32xf32, #tpu.memory_space<vmem>> -> memref<128x32xf32, #tpu.memory_space<vmem>>
    %dma_start3A_157 = arith.constant 2432 : i32
    %dma_start3A_158 = tpu.memref_slice %arg5[%dma_start3A_157] : memref<3200xi32, #tpu.memory_space<vmem>> -> memref<128xi32, #tpu.memory_space<vmem>>
    %dma_start3A_159 = arith.constant 0 : i32
    %dma_start3A_160 = arith.constant 0 : i32
    %dma_start3A_161 = tpu.memref_slice %arg2[%dma_start3A_159, %dma_start3A_160] : memref<10000x32xf32, #tpu.memory_space<hbm>> -> memref<10000x32xf32, #tpu.memory_space<hbm>>
    tpu.enqueue_indirect_dma source(%dma_start3A_161 : memref<10000x32xf32, #tpu.memory_space<hbm>>) target(%dma_start3A_156 : memref<128x32xf32, #tpu.memory_space<vmem>>) offsets(%dma_start3A_158 : memref<128xi32, #tpu.memory_space<vmem>>) semaphore(%arg7 : memref<!tpu.dma_semaphore, #tpu.memory_space<semaphore_mem>>)
    %dma_start3A_162 = arith.constant 2560 : i32
    %dma_start3A_163 = arith.constant 0 : i32
    %dma_start3A_164 = tpu.memref_slice %arg6[%dma_start3A_162, %dma_start3A_163] : memref<3200x32xf32, #tpu.memory_space<vmem>> -> memref<128x32xf32, #tpu.memory_space<vmem>>
    %dma_start3A_165 = arith.constant 2560 : i32
    %dma_start3A_166 = tpu.memref_slice %arg5[%dma_start3A_165] : memref<3200xi32, #tpu.memory_space<vmem>> -> memref<128xi32, #tpu.memory_space<vmem>>
    %dma_start3A_167 = arith.constant 0 : i32
    %dma_start3A_168 = arith.constant 0 : i32
    %dma_start3A_169 = tpu.memref_slice %arg2[%dma_start3A_167, %dma_start3A_168] : memref<10000x32xf32, #tpu.memory_space<hbm>> -> memref<10000x32xf32, #tpu.memory_space<hbm>>
    tpu.enqueue_indirect_dma source(%dma_start3A_169 : memref<10000x32xf32, #tpu.memory_space<hbm>>) target(%dma_start3A_164 : memref<128x32xf32, #tpu.memory_space<vmem>>) offsets(%dma_start3A_166 : memref<128xi32, #tpu.memory_space<vmem>>) semaphore(%arg7 : memref<!tpu.dma_semaphore, #tpu.memory_space<semaphore_mem>>)
    %dma_start3A_170 = arith.constant 2688 : i32
    %dma_start3A_171 = arith.constant 0 : i32
    %dma_start3A_172 = tpu.memref_slice %arg6[%dma_start3A_170, %dma_start3A_171] : memref<3200x32xf32, #tpu.memory_space<vmem>> -> memref<128x32xf32, #tpu.memory_space<vmem>>
    %dma_start3A_173 = arith.constant 2688 : i32
    %dma_start3A_174 = tpu.memref_slice %arg5[%dma_start3A_173] : memref<3200xi32, #tpu.memory_space<vmem>> -> memref<128xi32, #tpu.memory_space<vmem>>
    %dma_start3A_175 = arith.constant 0 : i32
    %dma_start3A_176 = arith.constant 0 : i32
    %dma_start3A_177 = tpu.memref_slice %arg2[%dma_start3A_175, %dma_start3A_176] : memref<10000x32xf32, #tpu.memory_space<hbm>> -> memref<10000x32xf32, #tpu.memory_space<hbm>>
    tpu.enqueue_indirect_dma source(%dma_start3A_177 : memref<10000x32xf32, #tpu.memory_space<hbm>>) target(%dma_start3A_172 : memref<128x32xf32, #tpu.memory_space<vmem>>) offsets(%dma_start3A_174 : memref<128xi32, #tpu.memory_space<vmem>>) semaphore(%arg7 : memref<!tpu.dma_semaphore, #tpu.memory_space<semaphore_mem>>)
    %dma_start3A_178 = arith.constant 2816 : i32
    %dma_start3A_179 = arith.constant 0 : i32
    %dma_start3A_180 = tpu.memref_slice %arg6[%dma_start3A_178, %dma_start3A_179] : memref<3200x32xf32, #tpu.memory_space<vmem>> -> memref<128x32xf32, #tpu.memory_space<vmem>>
    %dma_start3A_181 = arith.constant 2816 : i32
    %dma_start3A_182 = tpu.memref_slice %arg5[%dma_start3A_181] : memref<3200xi32, #tpu.memory_space<vmem>> -> memref<128xi32, #tpu.memory_space<vmem>>
    %dma_start3A_183 = arith.constant 0 : i32
    %dma_start3A_184 = arith.constant 0 : i32
    %dma_start3A_185 = tpu.memref_slice %arg2[%dma_start3A_183, %dma_start3A_184] : memref<10000x32xf32, #tpu.memory_space<hbm>> -> memref<10000x32xf32, #tpu.memory_space<hbm>>
    tpu.enqueue_indirect_dma source(%dma_start3A_185 : memref<10000x32xf32, #tpu.memory_space<hbm>>) target(%dma_start3A_180 : memref<128x32xf32, #tpu.memory_space<vmem>>) offsets(%dma_start3A_182 : memref<128xi32, #tpu.memory_space<vmem>>) semaphore(%arg7 : memref<!tpu.dma_semaphore, #tpu.memory_space<semaphore_mem>>)
    %dma_start3A_186 = arith.constant 2944 : i32
    %dma_start3A_187 = arith.constant 0 : i32
    %dma_start3A_188 = tpu.memref_slice %arg6[%dma_start3A_186, %dma_start3A_187] : memref<3200x32xf32, #tpu.memory_space<vmem>> -> memref<128x32xf32, #tpu.memory_space<vmem>>
    %dma_start3A_189 = arith.constant 2944 : i32
    %dma_start3A_190 = tpu.memref_slice %arg5[%dma_start3A_189] : memref<3200xi32, #tpu.memory_space<vmem>> -> memref<128xi32, #tpu.memory_space<vmem>>
    %dma_start3A_191 = arith.constant 0 : i32
    %dma_start3A_192 = arith.constant 0 : i32
    %dma_start3A_193 = tpu.memref_slice %arg2[%dma_start3A_191, %dma_start3A_192] : memref<10000x32xf32, #tpu.memory_space<hbm>> -> memref<10000x32xf32, #tpu.memory_space<hbm>>
    tpu.enqueue_indirect_dma source(%dma_start3A_193 : memref<10000x32xf32, #tpu.memory_space<hbm>>) target(%dma_start3A_188 : memref<128x32xf32, #tpu.memory_space<vmem>>) offsets(%dma_start3A_190 : memref<128xi32, #tpu.memory_space<vmem>>) semaphore(%arg7 : memref<!tpu.dma_semaphore, #tpu.memory_space<semaphore_mem>>)
    %dma_start3A_194 = arith.constant 3072 : i32
    %dma_start3A_195 = arith.constant 0 : i32
    %dma_start3A_196 = tpu.memref_slice %arg6[%dma_start3A_194, %dma_start3A_195] : memref<3200x32xf32, #tpu.memory_space<vmem>> -> memref<128x32xf32, #tpu.memory_space<vmem>>
    %dma_start3A_197 = arith.constant 3072 : i32
    %dma_start3A_198 = tpu.memref_slice %arg5[%dma_start3A_197] : memref<3200xi32, #tpu.memory_space<vmem>> -> memref<128xi32, #tpu.memory_space<vmem>>
    %dma_start3A_199 = arith.constant 0 : i32
    %dma_start3A_200 = arith.constant 0 : i32
    %dma_start3A_201 = tpu.memref_slice %arg2[%dma_start3A_199, %dma_start3A_200] : memref<10000x32xf32, #tpu.memory_space<hbm>> -> memref<10000x32xf32, #tpu.memory_space<hbm>>
    tpu.enqueue_indirect_dma source(%dma_start3A_201 : memref<10000x32xf32, #tpu.memory_space<hbm>>) target(%dma_start3A_196 : memref<128x32xf32, #tpu.memory_space<vmem>>) offsets(%dma_start3A_198 : memref<128xi32, #tpu.memory_space<vmem>>) semaphore(%arg7 : memref<!tpu.dma_semaphore, #tpu.memory_space<semaphore_mem>>)
    %dma_wait3A = arith.constant 0 : i32
    %dma_wait3A_202 = arith.constant 0 : i32
    %dma_wait3A_203 = tpu.memref_slice %arg6[%dma_wait3A, %dma_wait3A_202] : memref<3200x32xf32, #tpu.memory_space<vmem>> -> memref<128x32xf32, #tpu.memory_space<vmem>>
    %dma_wait3A_204 = arith.constant 0 : i32
    %dma_wait3A_205 = tpu.memref_slice %arg5[%dma_wait3A_204] : memref<3200xi32, #tpu.memory_space<vmem>> -> memref<128xi32, #tpu.memory_space<vmem>>
    %dma_wait3A_206 = arith.constant 0 : i32
    %dma_wait3A_207 = arith.constant 0 : i32
    %dma_wait3A_208 = tpu.memref_slice %arg2[%dma_wait3A_206, %dma_wait3A_207] : memref<10000x32xf32, #tpu.memory_space<hbm>> -> memref<10000x32xf32, #tpu.memory_space<hbm>>
    tpu.wait_indirect_dma semaphore(%arg7 : memref<!tpu.dma_semaphore, #tpu.memory_space<semaphore_mem>>) src(%dma_wait3A_208 : memref<10000x32xf32, #tpu.memory_space<hbm>>) dst(%dma_wait3A_203 : memref<128x32xf32, #tpu.memory_space<vmem>>)
    %dma_wait3A_209 = arith.constant 128 : i32
    %dma_wait3A_210 = arith.constant 0 : i32
    %dma_wait3A_211 = tpu.memref_slice %arg6[%dma_wait3A_209, %dma_wait3A_210] : memref<3200x32xf32, #tpu.memory_space<vmem>> -> memref<128x32xf32, #tpu.memory_space<vmem>>
    %dma_wait3A_212 = arith.constant 128 : i32
    %dma_wait3A_213 = tpu.memref_slice %arg5[%dma_wait3A_212] : memref<3200xi32, #tpu.memory_space<vmem>> -> memref<128xi32, #tpu.memory_space<vmem>>
    %dma_wait3A_214 = arith.constant 0 : i32
    %dma_wait3A_215 = arith.constant 0 : i32
    %dma_wait3A_216 = tpu.memref_slice %arg2[%dma_wait3A_214, %dma_wait3A_215] : memref<10000x32xf32, #tpu.memory_space<hbm>> -> memref<10000x32xf32, #tpu.memory_space<hbm>>
    tpu.wait_indirect_dma semaphore(%arg7 : memref<!tpu.dma_semaphore, #tpu.memory_space<semaphore_mem>>) src(%dma_wait3A_216 : memref<10000x32xf32, #tpu.memory_space<hbm>>) dst(%dma_wait3A_211 : memref<128x32xf32, #tpu.memory_space<vmem>>)
    %dma_wait3A_217 = arith.constant 256 : i32
    %dma_wait3A_218 = arith.constant 0 : i32
    %dma_wait3A_219 = tpu.memref_slice %arg6[%dma_wait3A_217, %dma_wait3A_218] : memref<3200x32xf32, #tpu.memory_space<vmem>> -> memref<128x32xf32, #tpu.memory_space<vmem>>
    %dma_wait3A_220 = arith.constant 256 : i32
    %dma_wait3A_221 = tpu.memref_slice %arg5[%dma_wait3A_220] : memref<3200xi32, #tpu.memory_space<vmem>> -> memref<128xi32, #tpu.memory_space<vmem>>
    %dma_wait3A_222 = arith.constant 0 : i32
    %dma_wait3A_223 = arith.constant 0 : i32
    %dma_wait3A_224 = tpu.memref_slice %arg2[%dma_wait3A_222, %dma_wait3A_223] : memref<10000x32xf32, #tpu.memory_space<hbm>> -> memref<10000x32xf32, #tpu.memory_space<hbm>>
    tpu.wait_indirect_dma semaphore(%arg7 : memref<!tpu.dma_semaphore, #tpu.memory_space<semaphore_mem>>) src(%dma_wait3A_224 : memref<10000x32xf32, #tpu.memory_space<hbm>>) dst(%dma_wait3A_219 : memref<128x32xf32, #tpu.memory_space<vmem>>)
    %dma_wait3A_225 = arith.constant 384 : i32
    %dma_wait3A_226 = arith.constant 0 : i32
    %dma_wait3A_227 = tpu.memref_slice %arg6[%dma_wait3A_225, %dma_wait3A_226] : memref<3200x32xf32, #tpu.memory_space<vmem>> -> memref<128x32xf32, #tpu.memory_space<vmem>>
    %dma_wait3A_228 = arith.constant 384 : i32
    %dma_wait3A_229 = tpu.memref_slice %arg5[%dma_wait3A_228] : memref<3200xi32, #tpu.memory_space<vmem>> -> memref<128xi32, #tpu.memory_space<vmem>>
    %dma_wait3A_230 = arith.constant 0 : i32
    %dma_wait3A_231 = arith.constant 0 : i32
    %dma_wait3A_232 = tpu.memref_slice %arg2[%dma_wait3A_230, %dma_wait3A_231] : memref<10000x32xf32, #tpu.memory_space<hbm>> -> memref<10000x32xf32, #tpu.memory_space<hbm>>
    tpu.wait_indirect_dma semaphore(%arg7 : memref<!tpu.dma_semaphore, #tpu.memory_space<semaphore_mem>>) src(%dma_wait3A_232 : memref<10000x32xf32, #tpu.memory_space<hbm>>) dst(%dma_wait3A_227 : memref<128x32xf32, #tpu.memory_space<vmem>>)
    %dma_wait3A_233 = arith.constant 512 : i32
    %dma_wait3A_234 = arith.constant 0 : i32
    %dma_wait3A_235 = tpu.memref_slice %arg6[%dma_wait3A_233, %dma_wait3A_234] : memref<3200x32xf32, #tpu.memory_space<vmem>> -> memref<128x32xf32, #tpu.memory_space<vmem>>
    %dma_wait3A_236 = arith.constant 512 : i32
    %dma_wait3A_237 = tpu.memref_slice %arg5[%dma_wait3A_236] : memref<3200xi32, #tpu.memory_space<vmem>> -> memref<128xi32, #tpu.memory_space<vmem>>
    %dma_wait3A_238 = arith.constant 0 : i32
    %dma_wait3A_239 = arith.constant 0 : i32
    %dma_wait3A_240 = tpu.memref_slice %arg2[%dma_wait3A_238, %dma_wait3A_239] : memref<10000x32xf32, #tpu.memory_space<hbm>> -> memref<10000x32xf32, #tpu.memory_space<hbm>>
    tpu.wait_indirect_dma semaphore(%arg7 : memref<!tpu.dma_semaphore, #tpu.memory_space<semaphore_mem>>) src(%dma_wait3A_240 : memref<10000x32xf32, #tpu.memory_space<hbm>>) dst(%dma_wait3A_235 : memref<128x32xf32, #tpu.memory_space<vmem>>)
    %dma_wait3A_241 = arith.constant 640 : i32
    %dma_wait3A_242 = arith.constant 0 : i32
    %dma_wait3A_243 = tpu.memref_slice %arg6[%dma_wait3A_241, %dma_wait3A_242] : memref<3200x32xf32, #tpu.memory_space<vmem>> -> memref<128x32xf32, #tpu.memory_space<vmem>>
    %dma_wait3A_244 = arith.constant 640 : i32
    %dma_wait3A_245 = tpu.memref_slice %arg5[%dma_wait3A_244] : memref<3200xi32, #tpu.memory_space<vmem>> -> memref<128xi32, #tpu.memory_space<vmem>>
    %dma_wait3A_246 = arith.constant 0 : i32
    %dma_wait3A_247 = arith.constant 0 : i32
    %dma_wait3A_248 = tpu.memref_slice %arg2[%dma_wait3A_246, %dma_wait3A_247] : memref<10000x32xf32, #tpu.memory_space<hbm>> -> memref<10000x32xf32, #tpu.memory_space<hbm>>
    tpu.wait_indirect_dma semaphore(%arg7 : memref<!tpu.dma_semaphore, #tpu.memory_space<semaphore_mem>>) src(%dma_wait3A_248 : memref<10000x32xf32, #tpu.memory_space<hbm>>) dst(%dma_wait3A_243 : memref<128x32xf32, #tpu.memory_space<vmem>>)
    %dma_wait3A_249 = arith.constant 768 : i32
    %dma_wait3A_250 = arith.constant 0 : i32
    %dma_wait3A_251 = tpu.memref_slice %arg6[%dma_wait3A_249, %dma_wait3A_250] : memref<3200x32xf32, #tpu.memory_space<vmem>> -> memref<128x32xf32, #tpu.memory_space<vmem>>
    %dma_wait3A_252 = arith.constant 768 : i32
    %dma_wait3A_253 = tpu.memref_slice %arg5[%dma_wait3A_252] : memref<3200xi32, #tpu.memory_space<vmem>> -> memref<128xi32, #tpu.memory_space<vmem>>
    %dma_wait3A_254 = arith.constant 0 : i32
    %dma_wait3A_255 = arith.constant 0 : i32
    %dma_wait3A_256 = tpu.memref_slice %arg2[%dma_wait3A_254, %dma_wait3A_255] : memref<10000x32xf32, #tpu.memory_space<hbm>> -> memref<10000x32xf32, #tpu.memory_space<hbm>>
    tpu.wait_indirect_dma semaphore(%arg7 : memref<!tpu.dma_semaphore, #tpu.memory_space<semaphore_mem>>) src(%dma_wait3A_256 : memref<10000x32xf32, #tpu.memory_space<hbm>>) dst(%dma_wait3A_251 : memref<128x32xf32, #tpu.memory_space<vmem>>)
    %dma_wait3A_257 = arith.constant 896 : i32
    %dma_wait3A_258 = arith.constant 0 : i32
    %dma_wait3A_259 = tpu.memref_slice %arg6[%dma_wait3A_257, %dma_wait3A_258] : memref<3200x32xf32, #tpu.memory_space<vmem>> -> memref<128x32xf32, #tpu.memory_space<vmem>>
    %dma_wait3A_260 = arith.constant 896 : i32
    %dma_wait3A_261 = tpu.memref_slice %arg5[%dma_wait3A_260] : memref<3200xi32, #tpu.memory_space<vmem>> -> memref<128xi32, #tpu.memory_space<vmem>>
    %dma_wait3A_262 = arith.constant 0 : i32
    %dma_wait3A_263 = arith.constant 0 : i32
    %dma_wait3A_264 = tpu.memref_slice %arg2[%dma_wait3A_262, %dma_wait3A_263] : memref<10000x32xf32, #tpu.memory_space<hbm>> -> memref<10000x32xf32, #tpu.memory_space<hbm>>
    tpu.wait_indirect_dma semaphore(%arg7 : memref<!tpu.dma_semaphore, #tpu.memory_space<semaphore_mem>>) src(%dma_wait3A_264 : memref<10000x32xf32, #tpu.memory_space<hbm>>) dst(%dma_wait3A_259 : memref<128x32xf32, #tpu.memory_space<vmem>>)
    %dma_wait3A_265 = arith.constant 1024 : i32
    %dma_wait3A_266 = arith.constant 0 : i32
    %dma_wait3A_267 = tpu.memref_slice %arg6[%dma_wait3A_265, %dma_wait3A_266] : memref<3200x32xf32, #tpu.memory_space<vmem>> -> memref<128x32xf32, #tpu.memory_space<vmem>>
    %dma_wait3A_268 = arith.constant 1024 : i32
    %dma_wait3A_269 = tpu.memref_slice %arg5[%dma_wait3A_268] : memref<3200xi32, #tpu.memory_space<vmem>> -> memref<128xi32, #tpu.memory_space<vmem>>
    %dma_wait3A_270 = arith.constant 0 : i32
    %dma_wait3A_271 = arith.constant 0 : i32
    %dma_wait3A_272 = tpu.memref_slice %arg2[%dma_wait3A_270, %dma_wait3A_271] : memref<10000x32xf32, #tpu.memory_space<hbm>> -> memref<10000x32xf32, #tpu.memory_space<hbm>>
    tpu.wait_indirect_dma semaphore(%arg7 : memref<!tpu.dma_semaphore, #tpu.memory_space<semaphore_mem>>) src(%dma_wait3A_272 : memref<10000x32xf32, #tpu.memory_space<hbm>>) dst(%dma_wait3A_267 : memref<128x32xf32, #tpu.memory_space<vmem>>)
    %dma_wait3A_273 = arith.constant 1152 : i32
    %dma_wait3A_274 = arith.constant 0 : i32
    %dma_wait3A_275 = tpu.memref_slice %arg6[%dma_wait3A_273, %dma_wait3A_274] : memref<3200x32xf32, #tpu.memory_space<vmem>> -> memref<128x32xf32, #tpu.memory_space<vmem>>
    %dma_wait3A_276 = arith.constant 1152 : i32
    %dma_wait3A_277 = tpu.memref_slice %arg5[%dma_wait3A_276] : memref<3200xi32, #tpu.memory_space<vmem>> -> memref<128xi32, #tpu.memory_space<vmem>>
    %dma_wait3A_278 = arith.constant 0 : i32
    %dma_wait3A_279 = arith.constant 0 : i32
    %dma_wait3A_280 = tpu.memref_slice %arg2[%dma_wait3A_278, %dma_wait3A_279] : memref<10000x32xf32, #tpu.memory_space<hbm>> -> memref<10000x32xf32, #tpu.memory_space<hbm>>
    tpu.wait_indirect_dma semaphore(%arg7 : memref<!tpu.dma_semaphore, #tpu.memory_space<semaphore_mem>>) src(%dma_wait3A_280 : memref<10000x32xf32, #tpu.memory_space<hbm>>) dst(%dma_wait3A_275 : memref<128x32xf32, #tpu.memory_space<vmem>>)
    %dma_wait3A_281 = arith.constant 1280 : i32
    %dma_wait3A_282 = arith.constant 0 : i32
    %dma_wait3A_283 = tpu.memref_slice %arg6[%dma_wait3A_281, %dma_wait3A_282] : memref<3200x32xf32, #tpu.memory_space<vmem>> -> memref<128x32xf32, #tpu.memory_space<vmem>>
    %dma_wait3A_284 = arith.constant 1280 : i32
    %dma_wait3A_285 = tpu.memref_slice %arg5[%dma_wait3A_284] : memref<3200xi32, #tpu.memory_space<vmem>> -> memref<128xi32, #tpu.memory_space<vmem>>
    %dma_wait3A_286 = arith.constant 0 : i32
    %dma_wait3A_287 = arith.constant 0 : i32
    %dma_wait3A_288 = tpu.memref_slice %arg2[%dma_wait3A_286, %dma_wait3A_287] : memref<10000x32xf32, #tpu.memory_space<hbm>> -> memref<10000x32xf32, #tpu.memory_space<hbm>>
    tpu.wait_indirect_dma semaphore(%arg7 : memref<!tpu.dma_semaphore, #tpu.memory_space<semaphore_mem>>) src(%dma_wait3A_288 : memref<10000x32xf32, #tpu.memory_space<hbm>>) dst(%dma_wait3A_283 : memref<128x32xf32, #tpu.memory_space<vmem>>)
    %dma_wait3A_289 = arith.constant 1408 : i32
    %dma_wait3A_290 = arith.constant 0 : i32
    %dma_wait3A_291 = tpu.memref_slice %arg6[%dma_wait3A_289, %dma_wait3A_290] : memref<3200x32xf32, #tpu.memory_space<vmem>> -> memref<128x32xf32, #tpu.memory_space<vmem>>
    %dma_wait3A_292 = arith.constant 1408 : i32
    %dma_wait3A_293 = tpu.memref_slice %arg5[%dma_wait3A_292] : memref<3200xi32, #tpu.memory_space<vmem>> -> memref<128xi32, #tpu.memory_space<vmem>>
    %dma_wait3A_294 = arith.constant 0 : i32
    %dma_wait3A_295 = arith.constant 0 : i32
    %dma_wait3A_296 = tpu.memref_slice %arg2[%dma_wait3A_294, %dma_wait3A_295] : memref<10000x32xf32, #tpu.memory_space<hbm>> -> memref<10000x32xf32, #tpu.memory_space<hbm>>
    tpu.wait_indirect_dma semaphore(%arg7 : memref<!tpu.dma_semaphore, #tpu.memory_space<semaphore_mem>>) src(%dma_wait3A_296 : memref<10000x32xf32, #tpu.memory_space<hbm>>) dst(%dma_wait3A_291 : memref<128x32xf32, #tpu.memory_space<vmem>>)
    %dma_wait3A_297 = arith.constant 1536 : i32
    %dma_wait3A_298 = arith.constant 0 : i32
    %dma_wait3A_299 = tpu.memref_slice %arg6[%dma_wait3A_297, %dma_wait3A_298] : memref<3200x32xf32, #tpu.memory_space<vmem>> -> memref<128x32xf32, #tpu.memory_space<vmem>>
    %dma_wait3A_300 = arith.constant 1536 : i32
    %dma_wait3A_301 = tpu.memref_slice %arg5[%dma_wait3A_300] : memref<3200xi32, #tpu.memory_space<vmem>> -> memref<128xi32, #tpu.memory_space<vmem>>
    %dma_wait3A_302 = arith.constant 0 : i32
    %dma_wait3A_303 = arith.constant 0 : i32
    %dma_wait3A_304 = tpu.memref_slice %arg2[%dma_wait3A_302, %dma_wait3A_303] : memref<10000x32xf32, #tpu.memory_space<hbm>> -> memref<10000x32xf32, #tpu.memory_space<hbm>>
    tpu.wait_indirect_dma semaphore(%arg7 : memref<!tpu.dma_semaphore, #tpu.memory_space<semaphore_mem>>) src(%dma_wait3A_304 : memref<10000x32xf32, #tpu.memory_space<hbm>>) dst(%dma_wait3A_299 : memref<128x32xf32, #tpu.memory_space<vmem>>)
    %dma_wait3A_305 = arith.constant 1664 : i32
    %dma_wait3A_306 = arith.constant 0 : i32
    %dma_wait3A_307 = tpu.memref_slice %arg6[%dma_wait3A_305, %dma_wait3A_306] : memref<3200x32xf32, #tpu.memory_space<vmem>> -> memref<128x32xf32, #tpu.memory_space<vmem>>
    %dma_wait3A_308 = arith.constant 1664 : i32
    %dma_wait3A_309 = tpu.memref_slice %arg5[%dma_wait3A_308] : memref<3200xi32, #tpu.memory_space<vmem>> -> memref<128xi32, #tpu.memory_space<vmem>>
    %dma_wait3A_310 = arith.constant 0 : i32
    %dma_wait3A_311 = arith.constant 0 : i32
    %dma_wait3A_312 = tpu.memref_slice %arg2[%dma_wait3A_310, %dma_wait3A_311] : memref<10000x32xf32, #tpu.memory_space<hbm>> -> memref<10000x32xf32, #tpu.memory_space<hbm>>
    tpu.wait_indirect_dma semaphore(%arg7 : memref<!tpu.dma_semaphore, #tpu.memory_space<semaphore_mem>>) src(%dma_wait3A_312 : memref<10000x32xf32, #tpu.memory_space<hbm>>) dst(%dma_wait3A_307 : memref<128x32xf32, #tpu.memory_space<vmem>>)
    %dma_wait3A_313 = arith.constant 1792 : i32
    %dma_wait3A_314 = arith.constant 0 : i32
    %dma_wait3A_315 = tpu.memref_slice %arg6[%dma_wait3A_313, %dma_wait3A_314] : memref<3200x32xf32, #tpu.memory_space<vmem>> -> memref<128x32xf32, #tpu.memory_space<vmem>>
    %dma_wait3A_316 = arith.constant 1792 : i32
    %dma_wait3A_317 = tpu.memref_slice %arg5[%dma_wait3A_316] : memref<3200xi32, #tpu.memory_space<vmem>> -> memref<128xi32, #tpu.memory_space<vmem>>
    %dma_wait3A_318 = arith.constant 0 : i32
    %dma_wait3A_319 = arith.constant 0 : i32
    %dma_wait3A_320 = tpu.memref_slice %arg2[%dma_wait3A_318, %dma_wait3A_319] : memref<10000x32xf32, #tpu.memory_space<hbm>> -> memref<10000x32xf32, #tpu.memory_space<hbm>>
    tpu.wait_indirect_dma semaphore(%arg7 : memref<!tpu.dma_semaphore, #tpu.memory_space<semaphore_mem>>) src(%dma_wait3A_320 : memref<10000x32xf32, #tpu.memory_space<hbm>>) dst(%dma_wait3A_315 : memref<128x32xf32, #tpu.memory_space<vmem>>)
    %dma_wait3A_321 = arith.constant 1920 : i32
    %dma_wait3A_322 = arith.constant 0 : i32
    %dma_wait3A_323 = tpu.memref_slice %arg6[%dma_wait3A_321, %dma_wait3A_322] : memref<3200x32xf32, #tpu.memory_space<vmem>> -> memref<128x32xf32, #tpu.memory_space<vmem>>
    %dma_wait3A_324 = arith.constant 1920 : i32
    %dma_wait3A_325 = tpu.memref_slice %arg5[%dma_wait3A_324] : memref<3200xi32, #tpu.memory_space<vmem>> -> memref<128xi32, #tpu.memory_space<vmem>>
    %dma_wait3A_326 = arith.constant 0 : i32
    %dma_wait3A_327 = arith.constant 0 : i32
    %dma_wait3A_328 = tpu.memref_slice %arg2[%dma_wait3A_326, %dma_wait3A_327] : memref<10000x32xf32, #tpu.memory_space<hbm>> -> memref<10000x32xf32, #tpu.memory_space<hbm>>
    tpu.wait_indirect_dma semaphore(%arg7 : memref<!tpu.dma_semaphore, #tpu.memory_space<semaphore_mem>>) src(%dma_wait3A_328 : memref<10000x32xf32, #tpu.memory_space<hbm>>) dst(%dma_wait3A_323 : memref<128x32xf32, #tpu.memory_space<vmem>>)
    %dma_wait3A_329 = arith.constant 2048 : i32
    %dma_wait3A_330 = arith.constant 0 : i32
    %dma_wait3A_331 = tpu.memref_slice %arg6[%dma_wait3A_329, %dma_wait3A_330] : memref<3200x32xf32, #tpu.memory_space<vmem>> -> memref<128x32xf32, #tpu.memory_space<vmem>>
    %dma_wait3A_332 = arith.constant 2048 : i32
    %dma_wait3A_333 = tpu.memref_slice %arg5[%dma_wait3A_332] : memref<3200xi32, #tpu.memory_space<vmem>> -> memref<128xi32, #tpu.memory_space<vmem>>
    %dma_wait3A_334 = arith.constant 0 : i32
    %dma_wait3A_335 = arith.constant 0 : i32
    %dma_wait3A_336 = tpu.memref_slice %arg2[%dma_wait3A_334, %dma_wait3A_335] : memref<10000x32xf32, #tpu.memory_space<hbm>> -> memref<10000x32xf32, #tpu.memory_space<hbm>>
    tpu.wait_indirect_dma semaphore(%arg7 : memref<!tpu.dma_semaphore, #tpu.memory_space<semaphore_mem>>) src(%dma_wait3A_336 : memref<10000x32xf32, #tpu.memory_space<hbm>>) dst(%dma_wait3A_331 : memref<128x32xf32, #tpu.memory_space<vmem>>)
    %dma_wait3A_337 = arith.constant 2176 : i32
    %dma_wait3A_338 = arith.constant 0 : i32
    %dma_wait3A_339 = tpu.memref_slice %arg6[%dma_wait3A_337, %dma_wait3A_338] : memref<3200x32xf32, #tpu.memory_space<vmem>> -> memref<128x32xf32, #tpu.memory_space<vmem>>
    %dma_wait3A_340 = arith.constant 2176 : i32
    %dma_wait3A_341 = tpu.memref_slice %arg5[%dma_wait3A_340] : memref<3200xi32, #tpu.memory_space<vmem>> -> memref<128xi32, #tpu.memory_space<vmem>>
    %dma_wait3A_342 = arith.constant 0 : i32
    %dma_wait3A_343 = arith.constant 0 : i32
    %dma_wait3A_344 = tpu.memref_slice %arg2[%dma_wait3A_342, %dma_wait3A_343] : memref<10000x32xf32, #tpu.memory_space<hbm>> -> memref<10000x32xf32, #tpu.memory_space<hbm>>
    tpu.wait_indirect_dma semaphore(%arg7 : memref<!tpu.dma_semaphore, #tpu.memory_space<semaphore_mem>>) src(%dma_wait3A_344 : memref<10000x32xf32, #tpu.memory_space<hbm>>) dst(%dma_wait3A_339 : memref<128x32xf32, #tpu.memory_space<vmem>>)
    %dma_wait3A_345 = arith.constant 2304 : i32
    %dma_wait3A_346 = arith.constant 0 : i32
    %dma_wait3A_347 = tpu.memref_slice %arg6[%dma_wait3A_345, %dma_wait3A_346] : memref<3200x32xf32, #tpu.memory_space<vmem>> -> memref<128x32xf32, #tpu.memory_space<vmem>>
    %dma_wait3A_348 = arith.constant 2304 : i32
    %dma_wait3A_349 = tpu.memref_slice %arg5[%dma_wait3A_348] : memref<3200xi32, #tpu.memory_space<vmem>> -> memref<128xi32, #tpu.memory_space<vmem>>
    %dma_wait3A_350 = arith.constant 0 : i32
    %dma_wait3A_351 = arith.constant 0 : i32
    %dma_wait3A_352 = tpu.memref_slice %arg2[%dma_wait3A_350, %dma_wait3A_351] : memref<10000x32xf32, #tpu.memory_space<hbm>> -> memref<10000x32xf32, #tpu.memory_space<hbm>>
    tpu.wait_indirect_dma semaphore(%arg7 : memref<!tpu.dma_semaphore, #tpu.memory_space<semaphore_mem>>) src(%dma_wait3A_352 : memref<10000x32xf32, #tpu.memory_space<hbm>>) dst(%dma_wait3A_347 : memref<128x32xf32, #tpu.memory_space<vmem>>)
    %dma_wait3A_353 = arith.constant 2432 : i32
    %dma_wait3A_354 = arith.constant 0 : i32
    %dma_wait3A_355 = tpu.memref_slice %arg6[%dma_wait3A_353, %dma_wait3A_354] : memref<3200x32xf32, #tpu.memory_space<vmem>> -> memref<128x32xf32, #tpu.memory_space<vmem>>
    %dma_wait3A_356 = arith.constant 2432 : i32
    %dma_wait3A_357 = tpu.memref_slice %arg5[%dma_wait3A_356] : memref<3200xi32, #tpu.memory_space<vmem>> -> memref<128xi32, #tpu.memory_space<vmem>>
    %dma_wait3A_358 = arith.constant 0 : i32
    %dma_wait3A_359 = arith.constant 0 : i32
    %dma_wait3A_360 = tpu.memref_slice %arg2[%dma_wait3A_358, %dma_wait3A_359] : memref<10000x32xf32, #tpu.memory_space<hbm>> -> memref<10000x32xf32, #tpu.memory_space<hbm>>
    tpu.wait_indirect_dma semaphore(%arg7 : memref<!tpu.dma_semaphore, #tpu.memory_space<semaphore_mem>>) src(%dma_wait3A_360 : memref<10000x32xf32, #tpu.memory_space<hbm>>) dst(%dma_wait3A_355 : memref<128x32xf32, #tpu.memory_space<vmem>>)
    %dma_wait3A_361 = arith.constant 2560 : i32
    %dma_wait3A_362 = arith.constant 0 : i32
    %dma_wait3A_363 = tpu.memref_slice %arg6[%dma_wait3A_361, %dma_wait3A_362] : memref<3200x32xf32, #tpu.memory_space<vmem>> -> memref<128x32xf32, #tpu.memory_space<vmem>>
    %dma_wait3A_364 = arith.constant 2560 : i32
    %dma_wait3A_365 = tpu.memref_slice %arg5[%dma_wait3A_364] : memref<3200xi32, #tpu.memory_space<vmem>> -> memref<128xi32, #tpu.memory_space<vmem>>
    %dma_wait3A_366 = arith.constant 0 : i32
    %dma_wait3A_367 = arith.constant 0 : i32
    %dma_wait3A_368 = tpu.memref_slice %arg2[%dma_wait3A_366, %dma_wait3A_367] : memref<10000x32xf32, #tpu.memory_space<hbm>> -> memref<10000x32xf32, #tpu.memory_space<hbm>>
    tpu.wait_indirect_dma semaphore(%arg7 : memref<!tpu.dma_semaphore, #tpu.memory_space<semaphore_mem>>) src(%dma_wait3A_368 : memref<10000x32xf32, #tpu.memory_space<hbm>>) dst(%dma_wait3A_363 : memref<128x32xf32, #tpu.memory_space<vmem>>)
    %dma_wait3A_369 = arith.constant 2688 : i32
    %dma_wait3A_370 = arith.constant 0 : i32
    %dma_wait3A_371 = tpu.memref_slice %arg6[%dma_wait3A_369, %dma_wait3A_370] : memref<3200x32xf32, #tpu.memory_space<vmem>> -> memref<128x32xf32, #tpu.memory_space<vmem>>
    %dma_wait3A_372 = arith.constant 2688 : i32
    %dma_wait3A_373 = tpu.memref_slice %arg5[%dma_wait3A_372] : memref<3200xi32, #tpu.memory_space<vmem>> -> memref<128xi32, #tpu.memory_space<vmem>>
    %dma_wait3A_374 = arith.constant 0 : i32
    %dma_wait3A_375 = arith.constant 0 : i32
    %dma_wait3A_376 = tpu.memref_slice %arg2[%dma_wait3A_374, %dma_wait3A_375] : memref<10000x32xf32, #tpu.memory_space<hbm>> -> memref<10000x32xf32, #tpu.memory_space<hbm>>
    tpu.wait_indirect_dma semaphore(%arg7 : memref<!tpu.dma_semaphore, #tpu.memory_space<semaphore_mem>>) src(%dma_wait3A_376 : memref<10000x32xf32, #tpu.memory_space<hbm>>) dst(%dma_wait3A_371 : memref<128x32xf32, #tpu.memory_space<vmem>>)
    %dma_wait3A_377 = arith.constant 2816 : i32
    %dma_wait3A_378 = arith.constant 0 : i32
    %dma_wait3A_379 = tpu.memref_slice %arg6[%dma_wait3A_377, %dma_wait3A_378] : memref<3200x32xf32, #tpu.memory_space<vmem>> -> memref<128x32xf32, #tpu.memory_space<vmem>>
    %dma_wait3A_380 = arith.constant 2816 : i32
    %dma_wait3A_381 = tpu.memref_slice %arg5[%dma_wait3A_380] : memref<3200xi32, #tpu.memory_space<vmem>> -> memref<128xi32, #tpu.memory_space<vmem>>
    %dma_wait3A_382 = arith.constant 0 : i32
    %dma_wait3A_383 = arith.constant 0 : i32
    %dma_wait3A_384 = tpu.memref_slice %arg2[%dma_wait3A_382, %dma_wait3A_383] : memref<10000x32xf32, #tpu.memory_space<hbm>> -> memref<10000x32xf32, #tpu.memory_space<hbm>>
    tpu.wait_indirect_dma semaphore(%arg7 : memref<!tpu.dma_semaphore, #tpu.memory_space<semaphore_mem>>) src(%dma_wait3A_384 : memref<10000x32xf32, #tpu.memory_space<hbm>>) dst(%dma_wait3A_379 : memref<128x32xf32, #tpu.memory_space<vmem>>)
    %dma_wait3A_385 = arith.constant 2944 : i32
    %dma_wait3A_386 = arith.constant 0 : i32
    %dma_wait3A_387 = tpu.memref_slice %arg6[%dma_wait3A_385, %dma_wait3A_386] : memref<3200x32xf32, #tpu.memory_space<vmem>> -> memref<128x32xf32, #tpu.memory_space<vmem>>
    %dma_wait3A_388 = arith.constant 2944 : i32
    %dma_wait3A_389 = tpu.memref_slice %arg5[%dma_wait3A_388] : memref<3200xi32, #tpu.memory_space<vmem>> -> memref<128xi32, #tpu.memory_space<vmem>>
    %dma_wait3A_390 = arith.constant 0 : i32
    %dma_wait3A_391 = arith.constant 0 : i32
    %dma_wait3A_392 = tpu.memref_slice %arg2[%dma_wait3A_390, %dma_wait3A_391] : memref<10000x32xf32, #tpu.memory_space<hbm>> -> memref<10000x32xf32, #tpu.memory_space<hbm>>
    tpu.wait_indirect_dma semaphore(%arg7 : memref<!tpu.dma_semaphore, #tpu.memory_space<semaphore_mem>>) src(%dma_wait3A_392 : memref<10000x32xf32, #tpu.memory_space<hbm>>) dst(%dma_wait3A_387 : memref<128x32xf32, #tpu.memory_space<vmem>>)
    %dma_wait3A_393 = arith.constant 3072 : i32
    %dma_wait3A_394 = arith.constant 0 : i32
    %dma_wait3A_395 = tpu.memref_slice %arg6[%dma_wait3A_393, %dma_wait3A_394] : memref<3200x32xf32, #tpu.memory_space<vmem>> -> memref<128x32xf32, #tpu.memory_space<vmem>>
    %dma_wait3A_396 = arith.constant 3072 : i32
    %dma_wait3A_397 = tpu.memref_slice %arg5[%dma_wait3A_396] : memref<3200xi32, #tpu.memory_space<vmem>> -> memref<128xi32, #tpu.memory_space<vmem>>
    %dma_wait3A_398 = arith.constant 0 : i32
    %dma_wait3A_399 = arith.constant 0 : i32
    %dma_wait3A_400 = tpu.memref_slice %arg2[%dma_wait3A_398, %dma_wait3A_399] : memref<10000x32xf32, #tpu.memory_space<hbm>> -> memref<10000x32xf32, #tpu.memory_space<hbm>>
    tpu.wait_indirect_dma semaphore(%arg7 : memref<!tpu.dma_semaphore, #tpu.memory_space<semaphore_mem>>) src(%dma_wait3A_400 : memref<10000x32xf32, #tpu.memory_space<hbm>>) dst(%dma_wait3A_395 : memref<128x32xf32, #tpu.memory_space<vmem>>)
    %mul3A_401 = arith.constant 3200 : i32
    %mul3A_402 = arith.muli %add3A, %mul3A_401 : i32
    "tpu.region"() ({
      %run_scoped3A = tpu.sem_alloc : memref<!tpu.dma_semaphore, #tpu.memory_space<semaphore_mem>>
      %dma_start3A_403 = arith.constant 0 : i32
      %dma_start3A_404 = tpu.memref_slice %arg4[%mul3A_402, %dma_start3A_403] : memref<102400x32xf32, #tpu.memory_space<hbm>> -> memref<3200x32xf32, #tpu.memory_space<hbm>>
      %dma_start3A_405 = arith.constant 0 : i32
      %dma_start3A_406 = tpu.memref_slice %arg4[%mul3A_402, %dma_start3A_405] : memref<102400x32xf32, #tpu.memory_space<hbm>> -> memref<3200x32xf32, #tpu.memory_space<hbm>>
      tpu.enqueue_dma source(%arg6 : memref<3200x32xf32, #tpu.memory_space<vmem>>) target(%dma_start3A_406 : memref<3200x32xf32, #tpu.memory_space<hbm>>) target_semaphore(%run_scoped3A : memref<!tpu.dma_semaphore, #tpu.memory_space<semaphore_mem>>)
      %dma_wait3A_407 = arith.constant 0 : i32
      %dma_wait3A_408 = tpu.memref_slice %arg4[%mul3A_402, %dma_wait3A_407] : memref<102400x32xf32, #tpu.memory_space<hbm>> -> memref<3200x32xf32, #tpu.memory_space<hbm>>
      %dma_wait3A_409 = arith.constant 0 : i32
      %dma_wait3A_410 = tpu.memref_slice %arg4[%mul3A_402, %dma_wait3A_409] : memref<102400x32xf32, #tpu.memory_space<hbm>> -> memref<3200x32xf32, #tpu.memory_space<hbm>>
      tpu.wait_dma2 semaphore(%run_scoped3A : memref<!tpu.dma_semaphore, #tpu.memory_space<semaphore_mem>>) src(%arg6 : memref<3200x32xf32, #tpu.memory_space<vmem>>) dst(%dma_wait3A_410 : memref<3200x32xf32, #tpu.memory_space<hbm>>)
      tpu.yield
    }) : () -> ()
    return
  }
}

#map = affine_map<(d0, d1) -> (0, 0)>
#map1 = affine_map<(d0, d1) -> (0, 0, 0)>
module attributes {stable_mosaic.version = 14 : i64} {
  func.func @_scatter_body(%arg0: i32, %arg1: i32, %arg2: memref<100352x32xf32, #tpu.memory_space<hbm>>, %arg3: memref<32x28x112xi32, #tpu.memory_space<hbm>>, %arg4: memref<1000x32xf32, #tpu.memory_space<hbm>>, %arg5: memref<2x10000x32xf32, #tpu.memory_space<hbm>>, %arg6: memref<28x112xi32, #tpu.memory_space<vmem>>, %arg7: memref<3136x32xf32, #tpu.memory_space<vmem>>, %arg8: memref<10008x32xf32, #tpu.memory_space<vmem_shared>>, %arg9: memref<!tpu.dma_semaphore, #tpu.memory_space<semaphore_mem>>) attributes {dimension_semantics = [#tpu.dimension_semantics<core_parallel>, #tpu.dimension_semantics<subcore_parallel>], iteration_bounds = array<i64: 2, 16>, scalar_prefetch = 0 : i64, scratch_operands = 4 : i64, tpu.core_type = #tpu.core_type<sc_vector_subcore>, window_params = [{transform_indices = #map}, {transform_indices = #map1}, {transform_indices = #map}, {transform_indices = #map1}]} {
    %mul3A = arith.constant 2 : i32
    %mul3A_0 = arith.muli %arg1, %mul3A : i32
    %add3A = arith.addi %mul3A_0, %arg0 : i32
    "tpu.region"() ({
      %run_scoped3A = tpu.sem_alloc : memref<!tpu.dma_semaphore, #tpu.memory_space<semaphore_mem>>
      %dma_start3A = arith.constant 0 : i32
      %dma_start3A_20 = arith.constant 0 : i32
      %dma_start3A_21 = tpu.memref_slice %arg3[%add3A, %dma_start3A, %dma_start3A_20] : memref<32x28x112xi32, #tpu.memory_space<hbm>> -> memref<1x28x112xi32, #tpu.memory_space<hbm>>
      %dma_start3A_22 = tpu.memref_squeeze %dma_start3A_21 : memref<1x28x112xi32, #tpu.memory_space<hbm>> -> memref<28x112xi32, #tpu.memory_space<hbm>>
      %dma_start3A_23 = arith.constant 0 : i32
      %dma_start3A_24 = arith.constant 0 : i32
      %dma_start3A_25 = tpu.memref_slice %arg3[%add3A, %dma_start3A_23, %dma_start3A_24] : memref<32x28x112xi32, #tpu.memory_space<hbm>> -> memref<1x28x112xi32, #tpu.memory_space<hbm>>
      %dma_start3A_26 = tpu.memref_squeeze %dma_start3A_25 : memref<1x28x112xi32, #tpu.memory_space<hbm>> -> memref<28x112xi32, #tpu.memory_space<hbm>>
      tpu.enqueue_dma source(%dma_start3A_26 : memref<28x112xi32, #tpu.memory_space<hbm>>) target(%arg6 : memref<28x112xi32, #tpu.memory_space<vmem>>) target_semaphore(%run_scoped3A : memref<!tpu.dma_semaphore, #tpu.memory_space<semaphore_mem>>)
      %dma_wait3A = arith.constant 0 : i32
      %dma_wait3A_27 = arith.constant 0 : i32
      %dma_wait3A_28 = tpu.memref_slice %arg3[%add3A, %dma_wait3A, %dma_wait3A_27] : memref<32x28x112xi32, #tpu.memory_space<hbm>> -> memref<1x28x112xi32, #tpu.memory_space<hbm>>
      %dma_wait3A_29 = tpu.memref_squeeze %dma_wait3A_28 : memref<1x28x112xi32, #tpu.memory_space<hbm>> -> memref<28x112xi32, #tpu.memory_space<hbm>>
      %dma_wait3A_30 = arith.constant 0 : i32
      %dma_wait3A_31 = arith.constant 0 : i32
      %dma_wait3A_32 = tpu.memref_slice %arg3[%add3A, %dma_wait3A_30, %dma_wait3A_31] : memref<32x28x112xi32, #tpu.memory_space<hbm>> -> memref<1x28x112xi32, #tpu.memory_space<hbm>>
      %dma_wait3A_33 = tpu.memref_squeeze %dma_wait3A_32 : memref<1x28x112xi32, #tpu.memory_space<hbm>> -> memref<28x112xi32, #tpu.memory_space<hbm>>
      tpu.wait_dma2 semaphore(%run_scoped3A : memref<!tpu.dma_semaphore, #tpu.memory_space<semaphore_mem>>) src(%dma_wait3A_33 : memref<28x112xi32, #tpu.memory_space<hbm>>) dst(%arg6 : memref<28x112xi32, #tpu.memory_space<vmem>>)
      tpu.yield
    }) : () -> ()
    %mul3A_1 = arith.constant 3136 : i32
    %mul3A_2 = arith.muli %add3A, %mul3A_1 : i32
    "tpu.region"() ({
      %run_scoped3A = tpu.sem_alloc : memref<!tpu.dma_semaphore, #tpu.memory_space<semaphore_mem>>
      %dma_start3A = arith.constant 0 : i32
      %dma_start3A_20 = tpu.memref_slice %arg2[%mul3A_2, %dma_start3A] : memref<100352x32xf32, #tpu.memory_space<hbm>> -> memref<3136x32xf32, #tpu.memory_space<hbm>>
      %dma_start3A_21 = arith.constant 0 : i32
      %dma_start3A_22 = tpu.memref_slice %arg2[%mul3A_2, %dma_start3A_21] : memref<100352x32xf32, #tpu.memory_space<hbm>> -> memref<3136x32xf32, #tpu.memory_space<hbm>>
      tpu.enqueue_dma source(%dma_start3A_22 : memref<3136x32xf32, #tpu.memory_space<hbm>>) target(%arg7 : memref<3136x32xf32, #tpu.memory_space<vmem>>) target_semaphore(%run_scoped3A : memref<!tpu.dma_semaphore, #tpu.memory_space<semaphore_mem>>)
      %dma_wait3A = arith.constant 0 : i32
      %dma_wait3A_23 = tpu.memref_slice %arg2[%mul3A_2, %dma_wait3A] : memref<100352x32xf32, #tpu.memory_space<hbm>> -> memref<3136x32xf32, #tpu.memory_space<hbm>>
      %dma_wait3A_24 = arith.constant 0 : i32
      %dma_wait3A_25 = tpu.memref_slice %arg2[%mul3A_2, %dma_wait3A_24] : memref<100352x32xf32, #tpu.memory_space<hbm>> -> memref<3136x32xf32, #tpu.memory_space<hbm>>
      tpu.wait_dma2 semaphore(%run_scoped3A : memref<!tpu.dma_semaphore, #tpu.memory_space<semaphore_mem>>) src(%dma_wait3A_25 : memref<3136x32xf32, #tpu.memory_space<hbm>>) dst(%arg7 : memref<3136x32xf32, #tpu.memory_space<vmem>>)
      tpu.yield
    }) : () -> ()
    %lt3A = arith.constant 10 : i32
    %lt3A_3 = arith.cmpi slt, %arg1, %lt3A : i32
    %convert_element_type3A = arith.extui %lt3A_3 : i1 to i32
    %cond3A = arith.constant 0 : i32
    %cond3A_4 = arith.cmpi ne, %convert_element_type3A, %cond3A : i32
    scf.if %cond3A_4 {
      %mul3A_20 = arith.constant 1000 : i32
      %mul3A_21 = arith.muli %arg1, %mul3A_20 : i32
      "tpu.region"() ({
        %run_scoped3A = tpu.sem_alloc : memref<!tpu.dma_semaphore, #tpu.memory_space<semaphore_mem>>
        %dma_start3A = arith.constant 0 : i32
        %dma_start3A_22 = tpu.memref_slice %arg8[%mul3A_21, %dma_start3A] : memref<10008x32xf32, #tpu.memory_space<vmem_shared>> -> memref<1000x32xf32, #tpu.memory_space<vmem_shared>>
        %dma_start3A_23 = arith.constant 0 : i32
        %dma_start3A_24 = arith.constant 0 : i32
        %dma_start3A_25 = tpu.memref_slice %arg4[%dma_start3A_23, %dma_start3A_24] : memref<1000x32xf32, #tpu.memory_space<hbm>> -> memref<1000x32xf32, #tpu.memory_space<hbm>>
        tpu.enqueue_dma source(%dma_start3A_25 : memref<1000x32xf32, #tpu.memory_space<hbm>>) target(%dma_start3A_22 : memref<1000x32xf32, #tpu.memory_space<vmem_shared>>) target_semaphore(%run_scoped3A : memref<!tpu.dma_semaphore, #tpu.memory_space<semaphore_mem>>)
        %dma_wait3A = arith.constant 0 : i32
        %dma_wait3A_26 = tpu.memref_slice %arg8[%mul3A_21, %dma_wait3A] : memref<10008x32xf32, #tpu.memory_space<vmem_shared>> -> memref<1000x32xf32, #tpu.memory_space<vmem_shared>>
        %dma_wait3A_27 = arith.constant 0 : i32
        %dma_wait3A_28 = arith.constant 0 : i32
        %dma_wait3A_29 = tpu.memref_slice %arg4[%dma_wait3A_27, %dma_wait3A_28] : memref<1000x32xf32, #tpu.memory_space<hbm>> -> memref<1000x32xf32, #tpu.memory_space<hbm>>
        tpu.wait_dma2 semaphore(%run_scoped3A : memref<!tpu.dma_semaphore, #tpu.memory_space<semaphore_mem>>) src(%dma_wait3A_29 : memref<1000x32xf32, #tpu.memory_space<hbm>>) dst(%dma_wait3A_26 : memref<1000x32xf32, #tpu.memory_space<vmem_shared>>)
        tpu.yield
      }) : () -> ()
    } else {
    }
    %eq3A = arith.constant 10 : i32
    %eq3A_5 = arith.cmpi eq, %arg1, %eq3A : i32
    %convert_element_type3A_6 = arith.extui %eq3A_5 : i1 to i32
    %cond3A_7 = arith.constant 0 : i32
    %cond3A_8 = arith.cmpi ne, %convert_element_type3A_6, %cond3A_7 : i32
    scf.if %cond3A_8 {
      "tpu.region"() ({
        %run_scoped3A = tpu.sem_alloc : memref<!tpu.dma_semaphore, #tpu.memory_space<semaphore_mem>>
        %dma_start3A = arith.constant 10000 : i32
        %dma_start3A_20 = arith.constant 0 : i32
        %dma_start3A_21 = tpu.memref_slice %arg8[%dma_start3A, %dma_start3A_20] : memref<10008x32xf32, #tpu.memory_space<vmem_shared>> -> memref<8x32xf32, #tpu.memory_space<vmem_shared>>
        %dma_start3A_22 = arith.constant 0 : i32
        %dma_start3A_23 = arith.constant 0 : i32
        %dma_start3A_24 = tpu.memref_slice %arg4[%dma_start3A_22, %dma_start3A_23] : memref<1000x32xf32, #tpu.memory_space<hbm>> -> memref<8x32xf32, #tpu.memory_space<hbm>>
        tpu.enqueue_dma source(%dma_start3A_24 : memref<8x32xf32, #tpu.memory_space<hbm>>) target(%dma_start3A_21 : memref<8x32xf32, #tpu.memory_space<vmem_shared>>) target_semaphore(%run_scoped3A : memref<!tpu.dma_semaphore, #tpu.memory_space<semaphore_mem>>)
        %dma_wait3A = arith.constant 10000 : i32
        %dma_wait3A_25 = arith.constant 0 : i32
        %dma_wait3A_26 = tpu.memref_slice %arg8[%dma_wait3A, %dma_wait3A_25] : memref<10008x32xf32, #tpu.memory_space<vmem_shared>> -> memref<8x32xf32, #tpu.memory_space<vmem_shared>>
        %dma_wait3A_27 = arith.constant 0 : i32
        %dma_wait3A_28 = arith.constant 0 : i32
        %dma_wait3A_29 = tpu.memref_slice %arg4[%dma_wait3A_27, %dma_wait3A_28] : memref<1000x32xf32, #tpu.memory_space<hbm>> -> memref<8x32xf32, #tpu.memory_space<hbm>>
        tpu.wait_dma2 semaphore(%run_scoped3A : memref<!tpu.dma_semaphore, #tpu.memory_space<semaphore_mem>>) src(%dma_wait3A_29 : memref<8x32xf32, #tpu.memory_space<hbm>>) dst(%dma_wait3A_26 : memref<8x32xf32, #tpu.memory_space<vmem_shared>>)
        tpu.yield
      }) : () -> ()
    } else {
    }
    %barrier3A = arith.constant 0 : index
    tpu.barrier barrier_id(%barrier3A)
    %scan3A = arith.constant 0 : i32
    %scan3A_9 = arith.constant 0 : i32
    %scan3A_10 = arith.constant 28 : i32
    %scan3A_11 = arith.addi %scan3A_9, %scan3A_10 : i32
    %scan3A_12 = arith.constant 1 : i32
    scf.for %scan3A_20 = %scan3A_9 to %scan3A_11 step %scan3A_12  : i32 {
      %mul3A_21 = arith.constant 112 : i32
      %mul3A_22 = arith.muli %scan3A_20, %mul3A_21 : i32
      "tpu.region"() ({
        %run_scoped3A = tpu.sem_alloc : memref<!tpu.dma_semaphore, #tpu.memory_space<semaphore_mem>>
        %dma_start3A = arith.constant 0 : i32
        %dma_start3A_23 = tpu.memref_slice %arg7[%mul3A_22, %dma_start3A] : memref<3136x32xf32, #tpu.memory_space<vmem>> -> memref<112x32xf32, #tpu.memory_space<vmem>>
        %dma_start3A_24 = arith.constant 0 : i32
        %dma_start3A_25 = tpu.memref_slice %arg6[%scan3A_20, %dma_start3A_24] : memref<28x112xi32, #tpu.memory_space<vmem>> -> memref<1x112xi32, #tpu.memory_space<vmem>>
        %dma_start3A_26 = tpu.memref_squeeze %dma_start3A_25 : memref<1x112xi32, #tpu.memory_space<vmem>> -> memref<112xi32, #tpu.memory_space<vmem>>
        %dma_start3A_27 = arith.constant 0 : i32
        %dma_start3A_28 = arith.constant 0 : i32
        %dma_start3A_29 = tpu.memref_slice %arg8[%dma_start3A_27, %dma_start3A_28] : memref<10008x32xf32, #tpu.memory_space<vmem_shared>> -> memref<10008x32xf32, #tpu.memory_space<vmem_shared>>
        tpu.enqueue_indirect_dma source(%dma_start3A_23 : memref<112x32xf32, #tpu.memory_space<vmem>>) target(%dma_start3A_29 : memref<10008x32xf32, #tpu.memory_space<vmem_shared>>) offsets(%dma_start3A_26 : memref<112xi32, #tpu.memory_space<vmem>>) semaphore(%run_scoped3A : memref<!tpu.dma_semaphore, #tpu.memory_space<semaphore_mem>>) {add = true}
        %dma_wait3A = arith.constant 0 : i32
        %dma_wait3A_30 = tpu.memref_slice %arg7[%mul3A_22, %dma_wait3A] : memref<3136x32xf32, #tpu.memory_space<vmem>> -> memref<112x32xf32, #tpu.memory_space<vmem>>
        %dma_wait3A_31 = arith.constant 0 : i32
        %dma_wait3A_32 = tpu.memref_slice %arg6[%scan3A_20, %dma_wait3A_31] : memref<28x112xi32, #tpu.memory_space<vmem>> -> memref<1x112xi32, #tpu.memory_space<vmem>>
        %dma_wait3A_33 = tpu.memref_squeeze %dma_wait3A_32 : memref<1x112xi32, #tpu.memory_space<vmem>> -> memref<112xi32, #tpu.memory_space<vmem>>
        %dma_wait3A_34 = arith.constant 0 : i32
        %dma_wait3A_35 = arith.constant 0 : i32
        %dma_wait3A_36 = tpu.memref_slice %arg8[%dma_wait3A_34, %dma_wait3A_35] : memref<10008x32xf32, #tpu.memory_space<vmem_shared>> -> memref<10008x32xf32, #tpu.memory_space<vmem_shared>>
        tpu.wait_indirect_dma semaphore(%run_scoped3A : memref<!tpu.dma_semaphore, #tpu.memory_space<semaphore_mem>>) src(%dma_wait3A_30 : memref<112x32xf32, #tpu.memory_space<vmem>>) dst(%dma_wait3A_36 : memref<10008x32xf32, #tpu.memory_space<vmem_shared>>)
        tpu.yield
      }) : () -> ()
    }
    %scan3A_13 = arith.constant 28 : i32
    %barrier3A_14 = arith.constant 0 : index
    tpu.barrier barrier_id(%barrier3A_14)
    %eq3A_15 = arith.constant 0 : i32
    %eq3A_16 = arith.cmpi eq, %arg1, %eq3A_15 : i32
    %convert_element_type3A_17 = arith.extui %eq3A_16 : i1 to i32
    %cond3A_18 = arith.constant 0 : i32
    %cond3A_19 = arith.cmpi ne, %convert_element_type3A_17, %cond3A_18 : i32
    scf.if %cond3A_19 {
      "tpu.region"() ({
        %run_scoped3A = tpu.sem_alloc : memref<!tpu.dma_semaphore, #tpu.memory_space<semaphore_mem>>
        %dma_start3A = arith.constant 0 : i32
        %dma_start3A_20 = arith.constant 0 : i32
        %dma_start3A_21 = tpu.memref_slice %arg5[%arg0, %dma_start3A, %dma_start3A_20] : memref<2x10000x32xf32, #tpu.memory_space<hbm>> -> memref<1x10000x32xf32, #tpu.memory_space<hbm>>
        %dma_start3A_22 = tpu.memref_squeeze %dma_start3A_21 : memref<1x10000x32xf32, #tpu.memory_space<hbm>> -> memref<10000x32xf32, #tpu.memory_space<hbm>>
        %dma_start3A_23 = arith.constant 0 : i32
        %dma_start3A_24 = arith.constant 0 : i32
        %dma_start3A_25 = tpu.memref_slice %arg8[%dma_start3A_23, %dma_start3A_24] : memref<10008x32xf32, #tpu.memory_space<vmem_shared>> -> memref<10000x32xf32, #tpu.memory_space<vmem_shared>>
        tpu.enqueue_dma source(%dma_start3A_25 : memref<10000x32xf32, #tpu.memory_space<vmem_shared>>) target(%dma_start3A_22 : memref<10000x32xf32, #tpu.memory_space<hbm>>) target_semaphore(%run_scoped3A : memref<!tpu.dma_semaphore, #tpu.memory_space<semaphore_mem>>)
        %dma_wait3A = arith.constant 0 : i32
        %dma_wait3A_26 = arith.constant 0 : i32
        %dma_wait3A_27 = tpu.memref_slice %arg5[%arg0, %dma_wait3A, %dma_wait3A_26] : memref<2x10000x32xf32, #tpu.memory_space<hbm>> -> memref<1x10000x32xf32, #tpu.memory_space<hbm>>
        %dma_wait3A_28 = tpu.memref_squeeze %dma_wait3A_27 : memref<1x10000x32xf32, #tpu.memory_space<hbm>> -> memref<10000x32xf32, #tpu.memory_space<hbm>>
        %dma_wait3A_29 = arith.constant 0 : i32
        %dma_wait3A_30 = arith.constant 0 : i32
        %dma_wait3A_31 = tpu.memref_slice %arg8[%dma_wait3A_29, %dma_wait3A_30] : memref<10008x32xf32, #tpu.memory_space<vmem_shared>> -> memref<10000x32xf32, #tpu.memory_space<vmem_shared>>
        tpu.wait_dma2 semaphore(%run_scoped3A : memref<!tpu.dma_semaphore, #tpu.memory_space<semaphore_mem>>) src(%dma_wait3A_31 : memref<10000x32xf32, #tpu.memory_space<vmem_shared>>) dst(%dma_wait3A_28 : memref<10000x32xf32, #tpu.memory_space<hbm>>)
        tpu.yield
      }) : () -> ()
    } else {
    }
    return
  }
}

module attributes {stable_mosaic.version = 14 : i64} {
  func.func @_mlp_body(%arg0: i32, %arg1: memref<16x2048xf32, #tpu.memory_space<vmem>>, %arg2: memref<2048x32xf32, #tpu.memory_space<vmem>>, %arg3: memref<16x256xf32, #tpu.memory_space<vmem>>, %arg4: memref<1x256xf32, #tpu.memory_space<vmem>>, %arg5: memref<256x1024xf32, #tpu.memory_space<vmem>>, %arg6: memref<1x1024xf32, #tpu.memory_space<vmem>>, %arg7: memref<1024x1024xf32, #tpu.memory_space<vmem>>, %arg8: memref<1x1024xf32, #tpu.memory_space<vmem>>, %arg9: memref<32x1024xf32, #tpu.memory_space<vmem>>, %arg10: memref<1024x32xf32, #tpu.memory_space<vmem>>, %arg11: memref<2048x32xf32, #tpu.memory_space<vmem>>) attributes {dimension_semantics = [#tpu.dimension_semantics<arbitrary>], iteration_bounds = array<i64: 49>, scalar_prefetch = 0 : i64, scratch_operands = 0 : i64, tpu.core_type = #tpu.core_type<tc>, window_params = [{transform_indices = @transform_0, window_bounds = array<i64: 16, 2048>}, {transform_indices = @transform_1, window_bounds = array<i64: 2048, 32>}, {pipeline_mode = #tpu.pipeline_mode<synchronous>, transform_indices = @transform_2, window_bounds = array<i64: 16, 256>}, {pipeline_mode = #tpu.pipeline_mode<synchronous>, transform_indices = @transform_3, window_bounds = array<i64: 1, 256>}, {pipeline_mode = #tpu.pipeline_mode<synchronous>, transform_indices = @transform_4, window_bounds = array<i64: 256, 1024>}, {pipeline_mode = #tpu.pipeline_mode<synchronous>, transform_indices = @transform_5, window_bounds = array<i64: 1, 1024>}, {pipeline_mode = #tpu.pipeline_mode<synchronous>, transform_indices = @transform_6, window_bounds = array<i64: 1024, 1024>}, {pipeline_mode = #tpu.pipeline_mode<synchronous>, transform_indices = @transform_7, window_bounds = array<i64: 1, 1024>}, {pipeline_mode = #tpu.pipeline_mode<synchronous>, transform_indices = @transform_8, window_bounds = array<i64: 32, 1024>}, {pipeline_mode = #tpu.pipeline_mode<synchronous>, transform_indices = @transform_9, window_bounds = array<i64: 1024, 32>}, {transform_indices = @transform_10, window_bounds = array<i64: 2048, 32>}]} {
    %get3A = arith.constant 0 : index
    %get3A_0 = arith.constant 0 : index
    %get3A_1 = vector.load %arg1[%get3A, %get3A_0] : memref<16x2048xf32, #tpu.memory_space<vmem>>, vector<16x2048xf32>
    %get3A_2 = arith.constant 0 : index
    %get3A_3 = arith.constant 0 : index
    %get3A_4 = vector.load %arg3[%get3A_2, %get3A_3] : memref<16x256xf32, #tpu.memory_space<vmem>>, vector<16x256xf32>
    %dot_general3A = arith.constant dense<0.000000e+00> : vector<2048x256xf32>
    %dot_general3A_5 = tpu.matmul %get3A_1, %get3A_4, %dot_general3A {dimension_numbers = #tpu.dot_dimension_numbers<[0], [0], [1], [1], [0, 1, 1, 1], [], []>, transpose_lhs_hint = false} : vector<16x2048xf32>, vector<16x256xf32>, vector<2048x256xf32> -> vector<2048x256xf32>
    %get3A_6 = arith.constant 0 : index
    %get3A_7 = arith.constant 0 : index
    %get3A_8 = vector.load %arg4[%get3A_6, %get3A_7] : memref<1x256xf32, #tpu.memory_space<vmem>>, vector<1x256xf32>
    %add3A = vector.broadcast %get3A_8 : vector<1x256xf32> to vector<2048x256xf32>
    %add3A_9 = arith.addf %dot_general3A_5, %add3A : vector<2048x256xf32>
    %min3A = arith.constant 0.000000e+00 : f32
    %min3A_10 = vector.broadcast %min3A : f32 to vector<2048x256xf32>
    %min3A_11 = arith.minimumf %add3A_9, %min3A_10 : vector<2048x256xf32>
    %exp3A = math.exp %min3A_11 : vector<2048x256xf32>
    %sub3A = arith.constant 1.000000e+00 : f32
    %sub3A_12 = vector.broadcast %sub3A : f32 to vector<2048x256xf32>
    %sub3A_13 = arith.subf %exp3A, %sub3A_12 : vector<2048x256xf32>
    %max3A = arith.maximumf %add3A_9, %sub3A_13 : vector<2048x256xf32>
    %get3A_14 = arith.constant 0 : index
    %get3A_15 = arith.constant 0 : index
    %get3A_16 = vector.load %arg5[%get3A_14, %get3A_15] : memref<256x1024xf32, #tpu.memory_space<vmem>>, vector<256x1024xf32>
    %dot_general3A_17 = arith.constant dense<0.000000e+00> : vector<2048x1024xf32>
    %dot_general3A_18 = tpu.matmul %max3A, %get3A_16, %dot_general3A_17 {dimension_numbers = #tpu.dot_dimension_numbers<[1], [0], [0], [1], [0, 0, 1, 1], [], []>, transpose_lhs_hint = false} : vector<2048x256xf32>, vector<256x1024xf32>, vector<2048x1024xf32> -> vector<2048x1024xf32>
    %get3A_19 = arith.constant 0 : index
    %get3A_20 = arith.constant 0 : index
    %get3A_21 = vector.load %arg6[%get3A_19, %get3A_20] : memref<1x1024xf32, #tpu.memory_space<vmem>>, vector<1x1024xf32>
    %add3A_22 = vector.broadcast %get3A_21 : vector<1x1024xf32> to vector<2048x1024xf32>
    %add3A_23 = arith.addf %dot_general3A_18, %add3A_22 : vector<2048x1024xf32>
    %min3A_24 = arith.constant 0.000000e+00 : f32
    %min3A_25 = vector.broadcast %min3A_24 : f32 to vector<2048x1024xf32>
    %min3A_26 = arith.minimumf %add3A_23, %min3A_25 : vector<2048x1024xf32>
    %exp3A_27 = math.exp %min3A_26 : vector<2048x1024xf32>
    %sub3A_28 = arith.constant 1.000000e+00 : f32
    %sub3A_29 = vector.broadcast %sub3A_28 : f32 to vector<2048x1024xf32>
    %sub3A_30 = arith.subf %exp3A_27, %sub3A_29 : vector<2048x1024xf32>
    %max3A_31 = arith.maximumf %add3A_23, %sub3A_30 : vector<2048x1024xf32>
    %get3A_32 = arith.constant 0 : index
    %get3A_33 = arith.constant 0 : index
    %get3A_34 = vector.load %arg7[%get3A_32, %get3A_33] : memref<1024x1024xf32, #tpu.memory_space<vmem>>, vector<1024x1024xf32>
    %dot_general3A_35 = arith.constant dense<0.000000e+00> : vector<2048x1024xf32>
    %dot_general3A_36 = tpu.matmul %max3A_31, %get3A_34, %dot_general3A_35 {dimension_numbers = #tpu.dot_dimension_numbers<[1], [0], [0], [1], [0, 0, 1, 1], [], []>, transpose_lhs_hint = false} : vector<2048x1024xf32>, vector<1024x1024xf32>, vector<2048x1024xf32> -> vector<2048x1024xf32>
    %get3A_37 = arith.constant 0 : index
    %get3A_38 = arith.constant 0 : index
    %get3A_39 = vector.load %arg8[%get3A_37, %get3A_38] : memref<1x1024xf32, #tpu.memory_space<vmem>>, vector<1x1024xf32>
    %add3A_40 = vector.broadcast %get3A_39 : vector<1x1024xf32> to vector<2048x1024xf32>
    %add3A_41 = arith.addf %dot_general3A_36, %add3A_40 : vector<2048x1024xf32>
    %min3A_42 = arith.constant 0.000000e+00 : f32
    %min3A_43 = vector.broadcast %min3A_42 : f32 to vector<2048x1024xf32>
    %min3A_44 = arith.minimumf %add3A_41, %min3A_43 : vector<2048x1024xf32>
    %exp3A_45 = math.exp %min3A_44 : vector<2048x1024xf32>
    %sub3A_46 = arith.constant 1.000000e+00 : f32
    %sub3A_47 = vector.broadcast %sub3A_46 : f32 to vector<2048x1024xf32>
    %sub3A_48 = arith.subf %exp3A_45, %sub3A_47 : vector<2048x1024xf32>
    %max3A_49 = arith.maximumf %add3A_41, %sub3A_48 : vector<2048x1024xf32>
    %get3A_50 = arith.constant 0 : index
    %get3A_51 = arith.constant 0 : index
    %get3A_52 = vector.load %arg2[%get3A_50, %get3A_51] : memref<2048x32xf32, #tpu.memory_space<vmem>>, vector<2048x32xf32>
    %get3A_53 = arith.constant 0 : index
    %get3A_54 = arith.constant 0 : index
    %get3A_55 = vector.load %arg9[%get3A_53, %get3A_54] : memref<32x1024xf32, #tpu.memory_space<vmem>>, vector<32x1024xf32>
    %dot_general3A_56 = arith.constant dense<0.000000e+00> : vector<2048x1024xf32>
    %dot_general3A_57 = tpu.matmul %get3A_52, %get3A_55, %dot_general3A_56 {dimension_numbers = #tpu.dot_dimension_numbers<[1], [0], [0], [1], [0, 0, 1, 1], [], []>, transpose_lhs_hint = false} : vector<2048x32xf32>, vector<32x1024xf32>, vector<2048x1024xf32> -> vector<2048x1024xf32>
    %mul3A = arith.mulf %dot_general3A_57, %max3A_49 : vector<2048x1024xf32>
    %get3A_58 = arith.constant 0 : index
    %get3A_59 = arith.constant 0 : index
    %get3A_60 = vector.load %arg10[%get3A_58, %get3A_59] : memref<1024x32xf32, #tpu.memory_space<vmem>>, vector<1024x32xf32>
    %dot_general3A_61 = arith.constant dense<0.000000e+00> : vector<2048x32xf32>
    %dot_general3A_62 = tpu.matmul %mul3A, %get3A_60, %dot_general3A_61 {dimension_numbers = #tpu.dot_dimension_numbers<[1], [0], [0], [1], [0, 0, 1, 1], [], []>, transpose_lhs_hint = false} : vector<2048x1024xf32>, vector<1024x32xf32>, vector<2048x32xf32> -> vector<2048x32xf32>
    %swap3A = arith.constant 0 : index
    %swap3A_63 = arith.constant 0 : index
    %swap3A_64 = vector.load %arg11[%swap3A, %swap3A_63] : memref<2048x32xf32, #tpu.memory_space<vmem>>, vector<2048x32xf32>
    tpu.vector_store %arg11[%swap3A, %swap3A_63], %dot_general3A_62 {strides = array<i32>} : memref<2048x32xf32, #tpu.memory_space<vmem>>, vector<2048x32xf32>,
    return
  }
  func.func @transform_0(%arg0: i32) -> (i32, i32) {
    %c0_i32 = arith.constant 0 : i32
    %c0_i32_0 = arith.constant 0 : i32
    return %c0_i32, %arg0 : i32, i32
  }
  func.func @transform_1(%arg0: i32) -> (i32, i32) {
    %c0_i32 = arith.constant 0 : i32
    %c0_i32_0 = arith.constant 0 : i32
    return %arg0, %c0_i32 : i32, i32
  }
  func.func @transform_2(%arg0: i32) -> (i32, i32) {
    %c0_i32 = arith.constant 0 : i32
    %c0_i32_0 = arith.constant 0 : i32
    %c0_i32_1 = arith.constant 0 : i32
    return %c0_i32, %c0_i32_0 : i32, i32
  }
  func.func @transform_3(%arg0: i32) -> (i32, i32) {
    %c0_i32 = arith.constant 0 : i32
    %c0_i32_0 = arith.constant 0 : i32
    %c0_i32_1 = arith.constant 0 : i32
    return %c0_i32, %c0_i32_0 : i32, i32
  }
  func.func @transform_4(%arg0: i32) -> (i32, i32) {
    %c0_i32 = arith.constant 0 : i32
    %c0_i32_0 = arith.constant 0 : i32
    %c0_i32_1 = arith.constant 0 : i32
    return %c0_i32, %c0_i32_0 : i32, i32
  }
  func.func @transform_5(%arg0: i32) -> (i32, i32) {
    %c0_i32 = arith.constant 0 : i32
    %c0_i32_0 = arith.constant 0 : i32
    %c0_i32_1 = arith.constant 0 : i32
    return %c0_i32, %c0_i32_0 : i32, i32
  }
  func.func @transform_6(%arg0: i32) -> (i32, i32) {
    %c0_i32 = arith.constant 0 : i32
    %c0_i32_0 = arith.constant 0 : i32
    %c0_i32_1 = arith.constant 0 : i32
    return %c0_i32, %c0_i32_0 : i32, i32
  }
  func.func @transform_7(%arg0: i32) -> (i32, i32) {
    %c0_i32 = arith.constant 0 : i32
    %c0_i32_0 = arith.constant 0 : i32
    %c0_i32_1 = arith.constant 0 : i32
    return %c0_i32, %c0_i32_0 : i32, i32
  }
  func.func @transform_8(%arg0: i32) -> (i32, i32) {
    %c0_i32 = arith.constant 0 : i32
    %c0_i32_0 = arith.constant 0 : i32
    %c0_i32_1 = arith.constant 0 : i32
    return %c0_i32, %c0_i32_0 : i32, i32
  }
  func.func @transform_9(%arg0: i32) -> (i32, i32) {
    %c0_i32 = arith.constant 0 : i32
    %c0_i32_0 = arith.constant 0 : i32
    %c0_i32_1 = arith.constant 0 : i32
    return %c0_i32, %c0_i32_0 : i32, i32
  }
  func.func @transform_10(%arg0: i32) -> (i32, i32) {
    %c0_i32 = arith.constant 0 : i32
    %c0_i32_0 = arith.constant 0 : i32
    return %arg0, %c0_i32 : i32, i32
  }
}

module attributes {stable_mosaic.version = 14 : i64} {
  func.func @_root_body(%arg0: memref<10000x32xf32, #tpu.memory_space<vmem>>, %arg1: memref<32x32xf32, #tpu.memory_space<vmem>>, %arg2: memref<1x32xf32, #tpu.memory_space<vmem>>, %arg3: memref<10000x32xf32, #tpu.memory_space<vmem>>) attributes {dimension_semantics = [], scalar_prefetch = 0 : i64, scratch_operands = 0 : i64, tpu.core_type = #tpu.core_type<tc>} {
    %get3A = arith.constant 0 : index
    %get3A_0 = arith.constant 0 : index
    %get3A_1 = vector.load %arg0[%get3A, %get3A_0] : memref<10000x32xf32, #tpu.memory_space<vmem>>, vector<10000x32xf32>
    %get3A_2 = arith.constant 0 : index
    %get3A_3 = arith.constant 0 : index
    %get3A_4 = vector.load %arg1[%get3A_2, %get3A_3] : memref<32x32xf32, #tpu.memory_space<vmem>>, vector<32x32xf32>
    %dot_general3A = arith.constant dense<0.000000e+00> : vector<10000x32xf32>
    %dot_general3A_5 = tpu.matmul %get3A_1, %get3A_4, %dot_general3A {dimension_numbers = #tpu.dot_dimension_numbers<[1], [0], [0], [1], [0, 0, 1, 1], [], []>, transpose_lhs_hint = false} : vector<10000x32xf32>, vector<32x32xf32>, vector<10000x32xf32> -> vector<10000x32xf32>
    %get3A_6 = arith.constant 0 : index
    %get3A_7 = arith.constant 0 : index
    %get3A_8 = vector.load %arg2[%get3A_6, %get3A_7] : memref<1x32xf32, #tpu.memory_space<vmem>>, vector<1x32xf32>
    %add3A = vector.broadcast %get3A_8 : vector<1x32xf32> to vector<10000x32xf32>
    %add3A_9 = arith.addf %dot_general3A_5, %add3A : vector<10000x32xf32>
    %swap3A = arith.constant 0 : index
    %swap3A_10 = arith.constant 0 : index
    %swap3A_11 = vector.load %arg3[%swap3A, %swap3A_10] : memref<10000x32xf32, #tpu.memory_space<vmem>>, vector<10000x32xf32>
    tpu.vector_store %arg3[%swap3A, %swap3A_10], %add3A_9 {strides = array<i32>} : memref<10000x32xf32, #tpu.memory_space<vmem>>, vector<10000x32xf32>,
    return
  }
}

</mosaic_0001>

<sc_bundles>
// kernel: kernel.6.cloned.1.call-start
scs
__scs_entry_jumppad:
0x0: {  	(pc) =	sbr.rel $0x88, $3  }
0x1: {  	(tag) =	ssettag $0x0;
	lr =	simm.s32 $0x1  }
0x2: {  	[smem:$0x3F96] =	sst lr;
	_ =	strace $0xD0000000  }
0x3: {  	_ = 	snop  }
0x4: {  	_ = 	snop  }
0x5: {  	_ = 	snop  }
0x6: {  	_ = 	snop  }
0x7: {  	_ = 	snop  }
__scs_overlays_trampoline_lowered:
0x8: {  	[smem:$0x3FA5] =	sst s0  }
0x9: {  	[smem:$0x3FA6] =	sst s1  }
0xa: {  	[smem:$0x3FA7] =	sst s2  }
0xb: {  	[smem:$0x3FA8] =	sst s3  }
0xc: {  	[smem:$0x3FA9] =	sst s4  }
0xd: {  	[smem:$0x3FAA] =	sst s5  }
0xe: {  	[smem:$0x3FAB] =	sst s6  }
0xf: {  	[smem:$0x3FAC] =	sst s7  }
0x10: {  	[smem:$0x3FAD] =	sst s8  }
0x11: {  	[smem:$0x3FAE] =	sst s9;
	s0 =	simm.s32 @!p0 $0x0  }
0x12: {  	s1 =	sld [smem:$0x3F94];
	s0 =	simm.s32 @p0 $0x1  }
0x13: {  	[smem:$0x3FAF] =	sst s0;
	s0 =	simm.s32 @!p1 $0x0  }
0x14: {  	s2 =	sld [smem:$0x3F93];
	s0 =	simm.s32 @p1 $0x1  }
0x15: {  	[smem:$0x3FB0] =	sst s0;
	s0 =	simm.s32 @!p2 $0x0  }
0x16: {  	s3 =	sld [smem:$0x3FDB];
	s0 =	simm.s32 @p2 $0x1  }
0x17: {  	s4 =	simm.s32 $0x1BF5;
	[smem:$0x3FB2] =	sst s0  }
0x18: {  	s0 =	sld [smem:$0x3F95];
	_ =	swait.ge [sflag:s4], $0x0  }
0x19: {  	s7 =	sld [smem:$0x3F96]  }
0x1a: {  	s8 =	sadd.s32 $0xFFFFE003, lr  }
0x1b: {  	s9 =	sadd.s32 $0xFFFFFEF7, lr;
	s5 =	simm.s32 $0xFFFFFFFF;
	p2 =	slt.u32 s8, $0xFFFFF086  }
0x1c: {  	p1 =	slt.u32 s9, $0xF7A;
	s5 =	simm.s32 @!p2 $0x0  }
0x1d: {  	s5 =	simm.s32 @p1 $0x1;
	p0 =	seq.s32 s7, s2  }
0x1e: {  	s7 =	smul.u32 @!p0 $0xF7A, s2;
	p2 =	seq.s32 @!p0 s5, $0x0  }
0x1f: {  	s9 =	smul.u32 $0xF7A, s1;
	s8 =	simm.s32 @!p0 $0x1BF5;
	p2 =	por !p2, p0  }
0x20: {  	[sflag:s8] =	ssyncset.s32 @!p0 $0xFFFFF086;
	s6 =	sadd.s32 @!p0 s3, s7;
	s7 =	simm.s32 @!p0 $0x108  }
0x21: {  	s3 =	sadd.s32 s3, s9;
	s6 =	sadd.s32 @!p0 $0x88, s6;
	s7 =	simm.s32 @p2 $0x1082  }
0x22: {  	[simem:s7], [sflag:s8] =	dma.local @!p0 [hbm:s6], $0xF7A  }
0x23: {  	s9 =	sor.u32 $0xD0000000, s2;
	s6 =	simm.s32 $0x108;
	_ =	swait.ge @!p0 [sflag:s8], $0x0  }
0x24: {  	s3 =	sadd.s32 $0x88, s3;
	s6 =	simm.s32 @!p1 $0x1082;
	[sflag:s4] =	ssyncset.s32 $0xFFFFF086  }
0x25: {  	[simem:s6], [sflag:s4] =	dma.local [hbm:s3], $0xF7A  }
0x26: {  	[smem:$0x3F96] =	sst s1;
	(tag) =	ssettag s2;
	_ =	strace s9  }
0x27: {  	s1 =	sld [smem:$0x3FA6]  }
0x28: {  	s2 =	sld [smem:$0x3FA7]  }
0x29: {  	s4 =	sld [smem:$0x3FA9]  }
0x2a: {  	p0 =	seq.s32 s5, $0x0;
	s5 =	sld [smem:$0x3FAA]  }
0x2b: {  	s6 =	sld [smem:$0x3FAB]  }
0x2c: {  	s7 =	sld [smem:$0x3FAC]  }
0x2d: {  	s3 =	simm.s32 $0x108;
	s8 =	sld [smem:$0x3FAD]  }
0x2e: {  	s3 =	simm.s32 @!p0 $0x1082;
	s9 =	sld [smem:$0x3FAE]  }
0x2f: {  	lr =	sadd.s32 s0, s3;
	s0 =	sld [smem:$0x3FA5]  }
0x30: {  	s3 =	sld [smem:$0x3FA8]  }
0x31: {  	[smem:$0x3FB1] =	sst s10  }
0x32: {  	s10 =	sld [smem:$0x3FAF];
	_ =	sdelay $0x3  }
0x33: {  	p0 =	seq.s32 s10, $0x1;
	s10 =	sld [smem:$0x3FB1];
	_ =	sdelay $0x3  }
0x34: {  	[smem:$0x3FB1] =	sst s10  }
0x35: {  	s10 =	sld [smem:$0x3FB0];
	_ =	sdelay $0x3  }
0x36: {  	p1 =	seq.s32 s10, $0x1;
	s10 =	sld [smem:$0x3FB1];
	_ =	sdelay $0x3  }
0x37: {  	[smem:$0x3FB1] =	sst s10  }
0x38: {  	s10 =	sld [smem:$0x3FB2]  }
0x39: {  	_ = 	snop;
	(pc) =	sbr.ind lr, $3  }
0x3a: {  	_ = 	snop  }
0x3b: {  	_ = 	snop  }
0x3c: {  	p2 =	seq.s32 s10, $0x1;
	s10 =	sld [smem:$0x3FB1]  }
0x3d: {  	_ =	shalt  }
0x3e: {  	_ =	shalt  }
0x3f: {  	_ =	shalt  }
0x40: {  	_ =	shalt  }
0x41: {  	_ =	shalt  }
0x42: {  	_ =	shalt  }
0x43: {  	_ =	shalt  }
0x44: {  	_ =	shalt  }
0x45: {  	_ =	shalt  }
0x46: {  	_ =	shalt  }
0x47: {  	_ =	shalt  }
0x48: {  	_ =	shalt  }
0x49: {  	_ =	shalt  }
0x4a: {  	_ =	shalt  }
0x4b: {  	_ =	shalt  }
0x4c: {  	_ =	shalt  }
0x4d: {  	_ =	shalt  }
0x4e: {  	_ =	shalt  }
0x4f: {  	_ =	shalt  }
0x50: {  	_ =	shalt  }
0x51: {  	_ =	shalt  }
0x52: {  	_ =	shalt  }
0x53: {  	_ =	shalt  }
0x54: {  	_ =	shalt  }
0x55: {  	_ =	shalt  }
0x56: {  	_ =	shalt  }
0x57: {  	_ =	shalt  }
0x58: {  	_ =	shalt  }
0x59: {  	_ =	shalt  }
0x5a: {  	_ =	shalt  }
0x5b: {  	_ =	shalt  }
0x5c: {  	_ =	shalt  }
0x5d: {  	_ =	shalt  }
0x5e: {  	_ =	shalt  }
0x5f: {  	_ =	shalt  }
0x60: {  	_ =	shalt  }
0x61: {  	_ =	shalt  }
0x62: {  	_ =	shalt  }
0x63: {  	_ =	shalt  }
0x64: {  	_ =	shalt  }
0x65: {  	_ =	shalt  }
0x66: {  	_ =	shalt  }
0x67: {  	_ =	shalt  }
0x68: {  	_ =	shalt  }
0x69: {  	_ =	shalt  }
0x6a: {  	_ =	shalt  }
0x6b: {  	_ =	shalt  }
0x6c: {  	_ =	shalt  }
0x6d: {  	_ =	shalt  }
0x6e: {  	_ =	shalt  }
0x6f: {  	_ =	shalt  }
0x70: {  	_ =	shalt  }
0x71: {  	_ =	shalt  }
0x72: {  	_ =	shalt  }
0x73: {  	_ =	shalt  }
0x74: {  	_ =	shalt  }
0x75: {  	_ =	shalt  }
0x76: {  	_ =	shalt  }
0x77: {  	_ =	shalt  }
0x78: {  	_ =	shalt  }
0x79: {  	_ =	shalt  }
0x7a: {  	_ =	shalt  }
0x7b: {  	_ =	shalt  }
0x7c: {  	_ =	shalt  }
0x7d: {  	_ =	shalt  }
0x7e: {  	_ =	shalt  }
0x7f: {  	_ =	shalt  }
0x80: {  	_ =	shalt  }
0x81: {  	_ =	shalt  }
0x82: {  	_ =	shalt  }
0x83: {  	_ =	shalt  }
0x84: {  	_ =	shalt  }
0x85: {  	_ =	shalt  }
0x86: {  	_ =	shalt  }
0x87: {  	_ =	shalt  }
.Lfunc_end0:
.L_simem_size_0:
called_computation_lowered:
.L_overlay_start_0:
0x88: {  	s2 =	sld [smem:$0x3FD9]  }
0x89: {  	s3 =	sld [smem:$0x3FFE];
	_ =	sdelay $0x1  }
0x8a: {  	s1 =	srdreg.scid  }
0x8b: {  	s0 =	sand.u32 $0x1, s1  }
0x8c: {  	s17 =	sshll.u32 s0, $0xA;
	s2 =	sadd.s32 s3, s2  }
0x8d: {  	s2 =	sadd.s32 s2, s17  }
0x8e: {  	[smem:$0x3FBD] =	sst s2  }
0x8f: {  	_ = 	snop  }
0x90: {  	s2 =	sld [smem:$0x3FD0];
	(tm) =	ssettm $0x1  }
0x91: {  	s18 =	sld [smem:$0x3FFB];
	_ =	sdelay $0x3  }
0x92: {  	_ =	strace s18  }
0x93: {  	s3 =	sld [smem:$0x3FFC];
	_ =	sdelay $0x3  }
0x94: {  	_ =	strace s3  }
0x95: {  	s3 =	sld [smem:$0x3FFD];
	_ =	sdelay $0x3  }
0x96: {  	_ =	strace s3  }
0x97: {  	_ =	strace $0x8FFFFFFF  }
0x98: {  	s19 =	sld [smem:$0x3FDB];
	_ =	sdelay $0x1  }
0x99: {  	s4 =	simm.s32 $_scs_section_size  }
0x9a: {  	s5 =	simm.s32 $_size__tile_overlayer_lowered;
	s6 =	simm.s32 $_tile_overlayer_lowered  }
0x9b: {  	s22 =	simm.s32 $0x1BFF;
	s21 =	sshll.u32 s6, $0x1;
	s3 =	sadd.s32 s4, s19  }
0x9c: {  	s7 =	simm.s32 $0x0;
	s20 =	sshll.u32 s5, $0x1;
	s5 =	sadd.s32 s21, s3  }
0x9d: {  	[timem:s7], [sflag:s22] =	dma.local [hbm:s5], s20  }
0x9e: {  	_ =	swait.ge [sflag:s22], s20  }
0x9f: {  	s4 =	ssub.s32 $0x0, s20;
	[sflag:s22] =	ssyncset.done $0x0  }
0xa0: {  	[sflag:s22] =	ssyncadd.s32 s4;
	_ =	sdelay $0x1  }
0xa1: {  	s23 =	simm.s32 $0x1B8B  }
0xa2: {  	_ =	swait.ge [sflag:s23], $0x1  }
0xa3: {  	[sflag:s23] =	ssyncset.done $0x0  }
0xa4: {  	s25 =	simm.s32 $0x1B8E;
	s24 =	sld [smem:$0x3FFE];
	[sflag:s23] =	ssyncadd.s32 $0xFFFFFFFF  }
0xa5: {  	s26 =	simm.s32 $execute0_lowered;
	[smem:$0x3FD2] =	sst s25  }
0xa6: {  	s5 =	sshll.u32 s26, $0x1;
	_ =	strace $0x80000046;
	[dreg:$0x1] =	wrdreg $0xFFFFFFFF  }
0xa7: {  	s28 =	simm.s32 $_size_execute0_lowered;
	s3 =	sadd.s32 s3, s5;
	[dreg:$0x0] =	wrdreg $0x0  }
0xa8: {  	s5 =	sshll.u32 s28, $0x1;
	[dreg:$0x2] =	wrdreg s3  }
0xa9: {  	[dreg:$0x3] =	wrdreg s5  }
0xaa: {  	[dreg:$0x4] =	wrdreg $0xC0  }
0xab: {  	_ =	task [dreg:s7], $0x5FFFF  }
0xac: {  	[dreg:$0x1] =	wrdreg $0xFFFFFFFF  }
0xad: {  	[dreg:$0x0] =	wrdreg $0x60  }
0xae: {  	[dreg:$0x2] =	wrdreg s2  }
0xaf: {  	[dreg:$0x3] =	wrdreg s24  }
0xb0: {  	[dreg:$0x4] =	wrdreg $0x9  }
0xb1: {  	_ =	task.clear_ibuf [dreg:s7], $0x5FFFF;
	_ =	strace $0x90000046  }
0xb2: {  	s29 =	simm.s32 $0x9;
	_ =	strace $0x80000048  }
0xb3: {  	_ =	swait.ge [sflag:s29], $0x1  }
0xb4: {  	[sflag:s29] =	ssyncadd.s32 $0xFFFFFFFF  }
0xb5: {  	_ =	strace $0x90000048  }
0xb6: {  	_ =	sfence  }
0xb7: {  	s30 =	sld [smem:$0x0];
	_ =	sdelay $0x2  }
0xb8: {  	s31 =	sshll.u32 s1, $0xD;
	s1 =	sshrl.u32 s1, $0x2  }
0xb9: {  	s3 =	sand.u32 $0x4000, s31;
	s1 =	sadd.s32 s1, s30  }
0xba: {  	s0 =	sor.u32 s3, s0;
	s1 =	sshll.u32 s1, $0x11  }
0xbb: {  	s0 =	sor.u32 s1, s0  }
0xbc: {  	s0 =	sadd.s32 $0x8F2B, s0  }
0xbd: {  	[sflag:s0] =	ssyncadd.remote.s32 $0x1  }
0xbe: {  	_ =	sfence.sel $0xFFFF  }
0xbf: {  	[dreg:$0x0] =	wrdreg $0xFFFFFFFF;
	(pc) =	sbr.abs _section_cstart, $3  }
0xc0: {  	[dreg:$0x1] =	wrdreg $0xFFFFFFFF  }
0xc1: {  	_ =	task.clear_ibuf [dreg:s7], $0x2FFFF;
	_ =	strace $0x9FFFFFFF  }
0xc2: {  	(tm) =	ssettm $0x7FFFFFFF  }
0xc3: {  	_ =	shalt  }
tec
execute0_lowered:
.L_overlay_start_1:
0x0: {  	(tag) =	ssettag $0x1  }
0x1: {  	s2 =	stileid.u32;
	s3 =	rddreg [dreg:$0x0]  }
0x2: {  	s4 =	rddreg [dreg:$0x1];
	s20 =	sshll.u32 s2, $0x1;
	s2 =	simm.s32 $0x0  }
0x3: {  	s22 =	simm.s32 $0x1C80;
	[smem:$0x7FF] =	sst s2  }
0x4: {  	s23 =	simm.s32 $0x100;
	_ =	strace $0x80000047;
	[dreg:$0x5] =	wrdreg s22  }
0x5: {  	s24 =	simm.s32 $0x2C80;
	[dreg:$0x6] =	wrdreg s23  }
0x6: {  	s25 =	simm.s32 $0x180;
	[dreg:$0x7] =	wrdreg s24  }
0x7: {  	s26 =	simm.s32 $0x3C80;
	[dreg:$0x8] =	wrdreg s25  }
0x8: {  	s6 =	simm.s32 $0x280;
	[dreg:$0x9] =	wrdreg s26  }
0x9: {  	s7 =	simm.s32 $0x5C80;
	[dreg:$0xc] =	wrdreg s6  }
0xa: {  	s8 =	simm.s32 $0x300;
	[dreg:$0xd] =	wrdreg s7  }
0xb: {  	s9 =	simm.s32 $0x6C80;
	[dreg:$0xe] =	wrdreg s8  }
0xc: {  	s10 =	simm.s32 $0x380;
	[dreg:$0xf] =	wrdreg s9  }
0xd: {  	s11 =	simm.s32 $0x7C80;
	[dreg:$0x10] =	wrdreg s10  }
0xe: {  	s12 =	simm.s32 $0x400;
	[dreg:$0x11] =	wrdreg s11  }
0xf: {  	s13 =	simm.s32 $0x8C80;
	[dreg:$0x12] =	wrdreg s12  }
0x10: {  	s14 =	simm.s32 $0x480;
	[dreg:$0x13] =	wrdreg s13  }
0x11: {  	s15 =	simm.s32 $0x9C80;
	[dreg:$0x14] =	wrdreg s14  }
0x12: {  	s16 =	simm.s32 $0x500;
	[dreg:$0x15] =	wrdreg s15  }
0x13: {  	s0 =	srdreg.scid;
	s17 =	simm.s32 $0xAC80;
	[dreg:$0x16] =	wrdreg s16  }
0x14: {  	s18 =	simm.s32 $0x580;
	s1 =	sand.u32 $0x1, s0;
	[dreg:$0x17] =	wrdreg s17  }
0x15: {  	s19 =	simm.s32 $0xBC80;
	s0 =	sor.u32 s1, s20;
	[dreg:$0x18] =	wrdreg s18  }
0x16: {  	s20 =	simm.s32 $0x600;
	s5 =	smul.u32 $0x190, s0;
	[dreg:$0x19] =	wrdreg s19  }
0x17: {  	s0 =	smul.u32 $0x3200, s0;
	[dreg:$0x1a] =	wrdreg s20;
	s23 =	simm.s32 $0x680  }
0x18: {  	[dreg:$0x1c] =	wrdreg s23  }
0x19: {  	s5 =	sadd.s32 s5, s4;
	s0 =	sadd.s32 s0, s4;
	s4 =	simm.s32 $0x200  }
0x1a: {  	s21 =	sadd.s32 $0x1A00, s5;
	[dreg:$0xa] =	wrdreg s4  }
0x1b: {  	s0 =	sadd.s32 $0x4C00, s0;
	[dreg:$0x3] =	wrdreg s21  }
0x1c: {  	s5 =	simm.s32 $0x4C80;
	[dreg:$0x4] =	wrdreg s0  }
0x1d: {  	[dreg:$0xb] =	wrdreg s5  }
0x1e: {  	s21 =	simm.s32 $0xCC80;
	s22 =	rddreg [dreg:$0x3]  }
0x1f: {  	s4 =	simm.s32 $0x2;
	[dreg:$0x1b] =	wrdreg s21  }
0x20: {  	[tilespmem:s2], [sflag:$0x2] =	stream.linear.gather [hbm4b:s22+s2], $0xC80, $0x38;
	[tilespmem:$0x19C80] =	vst v63  }
0x21: {  	_ =	swait.ge [sflag:s4], $0xC80  }
0x22: {  	s0 =	rddreg [dreg:$0x1b]  }
0x23: {  	s7 =	rddreg [dreg:$0x19]  }
0x24: {  	s8 =	rddreg [dreg:$0x17]  }
0x25: {  	s9 =	rddreg [dreg:$0x15]  }
0x26: {  	s10 =	rddreg [dreg:$0x13]  }
0x27: {  	s11 =	rddreg [dreg:$0x11]  }
0x28: {  	s12 =	rddreg [dreg:$0xf]  }
0x29: {  	s13 =	rddreg [dreg:$0xd]  }
0x2a: {  	s14 =	rddreg [dreg:$0xb]  }
0x2b: {  	s6 =	simm.s32 $0x80;
	s15 =	rddreg [dreg:$0x6];
	[sflag:s4] =	ssyncset.done $0x0  }
0x2c: {  	s5 =	simm.s32 $0xC80;
	s16 =	rddreg [dreg:$0x5];
	[sflag:s4] =	ssyncadd.s32 $0xFFFFF380  }
0x2d: {  	[tilespmem:s5], [sflag:$0x1] =	stream.indirect.gather [hbm4b:s3+s6], $0x20, s2, s6, $0xb8;
	[tilespmem:$0x19C80] =	vst v63  }
0x2e: {  	s17 =	rddreg [dreg:$0x7]  }
0x2f: {  	[tilespmem:s16], [sflag:$0x1] =	stream.indirect.gather [hbm4b:s3+s6], $0x20, s6, s6, $0xb8;
	[tilespmem:$0x19C80] =	vst v63  }
0x30: {  	s18 =	rddreg [dreg:$0x9]  }
0x31: {  	[tilespmem:s17], [sflag:$0x1] =	stream.indirect.gather [hbm4b:s3+s6], $0x20, s15, s6, $0xb8;
	[tilespmem:$0x19C80] =	vst v63  }
0x32: {  	s24 =	rddreg [dreg:$0x8]  }
0x33: {  	[tilespmem:s18], [sflag:$0x1] =	stream.indirect.gather [hbm4b:s3+s6], $0x20, s24, s6, $0xb8;
	[tilespmem:$0x19C80] =	vst v63  }
0x34: {  	s25 =	rddreg [dreg:$0xa]  }
0x35: {  	[tilespmem:s14], [sflag:$0x1] =	stream.indirect.gather [hbm4b:s3+s6], $0x20, s25, s6, $0xb8;
	[tilespmem:$0x19C80] =	vst v63  }
0x36: {  	s26 =	rddreg [dreg:$0xc]  }
0x37: {  	[tilespmem:s13], [sflag:$0x1] =	stream.indirect.gather [hbm4b:s3+s6], $0x20, s26, s6, $0xb8;
	[tilespmem:$0x19C80] =	vst v63  }
0x38: {  	s15 =	rddreg [dreg:$0xe]  }
0x39: {  	[tilespmem:s12], [sflag:$0x1] =	stream.indirect.gather [hbm4b:s3+s6], $0x20, s15, s6, $0xb8;
	[tilespmem:$0x19C80] =	vst v63  }
0x3a: {  	s17 =	rddreg [dreg:$0x10]  }
0x3b: {  	[tilespmem:s11], [sflag:$0x1] =	stream.indirect.gather [hbm4b:s3+s6], $0x20, s17, s6, $0xb8;
	[tilespmem:$0x19C80] =	vst v63  }
0x3c: {  	s18 =	rddreg [dreg:$0x12]  }
0x3d: {  	[tilespmem:s10], [sflag:$0x1] =	stream.indirect.gather [hbm4b:s3+s6], $0x20, s18, s6, $0xb8;
	[tilespmem:$0x19C80] =	vst v63  }
0x3e: {  	s19 =	rddreg [dreg:$0x14]  }
0x3f: {  	[tilespmem:s9], [sflag:$0x1] =	stream.indirect.gather [hbm4b:s3+s6], $0x20, s19, s6, $0xb8;
	[tilespmem:$0x19C80] =	vst v63  }
0x40: {  	s20 =	rddreg [dreg:$0x16]  }
0x41: {  	[tilespmem:s8], [sflag:$0x1] =	stream.indirect.gather [hbm4b:s3+s6], $0x20, s20, s6, $0xb8;
	[tilespmem:$0x19C80] =	vst v63  }
0x42: {  	s21 =	rddreg [dreg:$0x18]  }
0x43: {  	[tilespmem:s7], [sflag:$0x1] =	stream.indirect.gather [hbm4b:s3+s6], $0x20, s21, s6, $0xb8;
	[tilespmem:$0x19C80] =	vst v63  }
0x44: {  	s22 =	rddreg [dreg:$0x1a]  }
0x45: {  	[tilespmem:s0], [sflag:$0x1] =	stream.indirect.gather [hbm4b:s3+s6], $0x20, s22, s6, $0xb8;
	[tilespmem:$0x19C80] =	vst v63  }
0x46: {  	s23 =	rddreg [dreg:$0x1c];
	s24 =	simm.s32 $0xDC80  }
0x47: {  	[tilespmem:s24], [sflag:$0x1] =	stream.indirect.gather [hbm4b:s3+s6], $0x20, s23, s6, $0xb8;
	[tilespmem:$0x19C80] =	vst v63  }
0x48: {  	s25 =	simm.s32 $0x700;
	s26 =	simm.s32 $0xEC80  }
0x49: {  	[tilespmem:s26], [sflag:$0x1] =	stream.indirect.gather [hbm4b:s3+s6], $0x20, s25, s6, $0xb8;
	[tilespmem:$0x19C80] =	vst v63  }
0x4a: {  	s9 =	simm.s32 $0xFC80;
	s8 =	simm.s32 $0x780  }
0x4b: {  	[tilespmem:s9], [sflag:$0x1] =	stream.indirect.gather [hbm4b:s3+s6], $0x20, s8, s6, $0xb8;
	[tilespmem:$0x19C80] =	vst v63  }
0x4c: {  	s11 =	simm.s32 $0x10C80;
	s10 =	simm.s32 $0x800  }
0x4d: {  	[tilespmem:s11], [sflag:$0x1] =	stream.indirect.gather [hbm4b:s3+s6], $0x20, s10, s6, $0xb8;
	[tilespmem:$0x19C80] =	vst v63  }
0x4e: {  	s13 =	simm.s32 $0x11C80;
	s12 =	simm.s32 $0x880  }
0x4f: {  	[tilespmem:s13], [sflag:$0x1] =	stream.indirect.gather [hbm4b:s3+s6], $0x20, s12, s6, $0xb8;
	[tilespmem:$0x19C80] =	vst v63  }
0x50: {  	s14 =	simm.s32 $0x900;
	s15 =	simm.s32 $0x12C80  }
0x51: {  	[tilespmem:s15], [sflag:$0x1] =	stream.indirect.gather [hbm4b:s3+s6], $0x20, s14, s6, $0xb8;
	[tilespmem:$0x19C80] =	vst v63  }
0x52: {  	s16 =	simm.s32 $0x980;
	s17 =	simm.s32 $0x13C80  }
0x53: {  	[tilespmem:s17], [sflag:$0x1] =	stream.indirect.gather [hbm4b:s3+s6], $0x20, s16, s6, $0xb8;
	[tilespmem:$0x19C80] =	vst v63  }
0x54: {  	s20 =	simm.s32 $0xA00;
	s21 =	simm.s32 $0x14C80  }
0x55: {  	[tilespmem:s21], [sflag:$0x1] =	stream.indirect.gather [hbm4b:s3+s6], $0x20, s20, s6, $0xb8;
	[tilespmem:$0x19C80] =	vst v63  }
0x56: {  	s22 =	simm.s32 $0xA80;
	s23 =	simm.s32 $0x15C80  }
0x57: {  	[tilespmem:s23], [sflag:$0x1] =	stream.indirect.gather [hbm4b:s3+s6], $0x20, s22, s6, $0xb8;
	[tilespmem:$0x19C80] =	vst v63  }
0x58: {  	s24 =	simm.s32 $0xB00;
	s26 =	simm.s32 $0x16C80  }
0x59: {  	[tilespmem:s26], [sflag:$0x1] =	stream.indirect.gather [hbm4b:s3+s6], $0x20, s24, s6, $0xb8;
	[tilespmem:$0x19C80] =	vst v63  }
0x5a: {  	s28 =	simm.s32 $0xB80;
	s29 =	simm.s32 $0x17C80  }
0x5b: {  	[tilespmem:s29], [sflag:$0x1] =	stream.indirect.gather [hbm4b:s3+s6], $0x20, s28, s6, $0xb8;
	[tilespmem:$0x19C80] =	vst v63  }
0x5c: {  	s30 =	simm.s32 $0xC00;
	s31 =	simm.s32 $0x18C80;
	s25 =	simm.s32 $0x1  }
0x5d: {  	[tilespmem:s31], [sflag:$0x1] =	stream.indirect.gather [hbm4b:s3+s6], $0x20, s30, s6, $0xb8;
	[tilespmem:$0x19C80] =	vst v63  }
0x5e: {  	_ =	swait.ge [sflag:s25], $0x1000  }
0x5f: {  	[sflag:s25] =	ssyncset.done $0x0  }
0x60: {  	[sflag:s25] =	ssyncadd.s32 $0xFFFFF000  }
0x61: {  	_ =	swait.ge [sflag:s25], $0x1000  }
0x62: {  	[sflag:s25] =	ssyncset.done $0x0  }
0x63: {  	[sflag:s25] =	ssyncadd.s32 $0xFFFFF000  }
0x64: {  	_ =	swait.ge [sflag:s25], $0x1000  }
0x65: {  	[sflag:s25] =	ssyncset.done $0x0  }
0x66: {  	[sflag:s25] =	ssyncadd.s32 $0xFFFFF000  }
0x67: {  	_ =	swait.ge [sflag:s25], $0x1000  }
0x68: {  	[sflag:s25] =	ssyncset.done $0x0  }
0x69: {  	[sflag:s25] =	ssyncadd.s32 $0xFFFFF000  }
0x6a: {  	_ =	swait.ge [sflag:s25], $0x1000  }
0x6b: {  	[sflag:s25] =	ssyncset.done $0x0  }
0x6c: {  	[sflag:s25] =	ssyncadd.s32 $0xFFFFF000  }
0x6d: {  	_ =	swait.ge [sflag:s25], $0x1000  }
0x6e: {  	[sflag:s25] =	ssyncset.done $0x0  }
0x6f: {  	[sflag:s25] =	ssyncadd.s32 $0xFFFFF000  }
0x70: {  	_ =	swait.ge [sflag:s25], $0x1000  }
0x71: {  	[sflag:s25] =	ssyncset.done $0x0  }
0x72: {  	[sflag:s25] =	ssyncadd.s32 $0xFFFFF000  }
0x73: {  	_ =	swait.ge [sflag:s25], $0x1000  }
0x74: {  	[sflag:s25] =	ssyncset.done $0x0  }
0x75: {  	[sflag:s25] =	ssyncadd.s32 $0xFFFFF000  }
0x76: {  	_ =	swait.ge [sflag:s25], $0x1000  }
0x77: {  	[sflag:s25] =	ssyncset.done $0x0  }
0x78: {  	[sflag:s25] =	ssyncadd.s32 $0xFFFFF000  }
0x79: {  	_ =	swait.ge [sflag:s25], $0x1000  }
0x7a: {  	[sflag:s25] =	ssyncset.done $0x0  }
0x7b: {  	[sflag:s25] =	ssyncadd.s32 $0xFFFFF000  }
0x7c: {  	_ =	swait.ge [sflag:s25], $0x1000  }
0x7d: {  	[sflag:s25] =	ssyncset.done $0x0  }
0x7e: {  	[sflag:s25] =	ssyncadd.s32 $0xFFFFF000  }
0x7f: {  	_ =	swait.ge [sflag:s25], $0x1000  }
0x80: {  	[sflag:s25] =	ssyncset.done $0x0  }
0x81: {  	[sflag:s25] =	ssyncadd.s32 $0xFFFFF000  }
0x82: {  	_ =	swait.ge [sflag:s25], $0x1000  }
0x83: {  	[sflag:s25] =	ssyncset.done $0x0  }
0x84: {  	[sflag:s25] =	ssyncadd.s32 $0xFFFFF000  }
0x85: {  	_ =	swait.ge [sflag:s25], $0x1000  }
0x86: {  	[sflag:s25] =	ssyncset.done $0x0  }
0x87: {  	[sflag:s25] =	ssyncadd.s32 $0xFFFFF000  }
0x88: {  	_ =	swait.ge [sflag:s25], $0x1000  }
0x89: {  	[sflag:s25] =	ssyncset.done $0x0  }
0x8a: {  	[sflag:s25] =	ssyncadd.s32 $0xFFFFF000  }
0x8b: {  	_ =	swait.ge [sflag:s25], $0x1000  }
0x8c: {  	[sflag:s25] =	ssyncset.done $0x0  }
0x8d: {  	[sflag:s25] =	ssyncadd.s32 $0xFFFFF000  }
0x8e: {  	_ =	swait.ge [sflag:s25], $0x1000  }
0x8f: {  	[sflag:s25] =	ssyncset.done $0x0  }
0x90: {  	[sflag:s25] =	ssyncadd.s32 $0xFFFFF000  }
0x91: {  	_ =	swait.ge [sflag:s25], $0x1000  }
0x92: {  	[sflag:s25] =	ssyncset.done $0x0  }
0x93: {  	[sflag:s25] =	ssyncadd.s32 $0xFFFFF000  }
0x94: {  	_ =	swait.ge [sflag:s25], $0x1000  }
0x95: {  	[sflag:s25] =	ssyncset.done $0x0  }
0x96: {  	[sflag:s25] =	ssyncadd.s32 $0xFFFFF000  }
0x97: {  	_ =	swait.ge [sflag:s25], $0x1000  }
0x98: {  	s18 =	ssub.s32 $0x2, s1;
	[sflag:s25] =	ssyncset.done $0x0  }
0x99: {  	s1 =	sshrl.u32 s18, $0x1;
	[sflag:s25] =	ssyncadd.s32 $0xFFFFF000  }
0x9a: {  	s0 =	ssub.s32 s18, s1;
	_ =	swait.ge [sflag:s25], $0x1000  }
0x9b: {  	s0 =	smax.u32 s0, $0x1;
	[sflag:s25] =	ssyncset.done $0x0  }
0x9c: {  	p0 =	sne.s32 s0, $0x1;
	[sflag:s25] =	ssyncadd.s32 $0xFFFFF000  }
.Ltmp0:
0x9d: {  	_ =	swait.ge [sflag:s25], $0x1000;
	(pc) =	sbr.rel @!p0 .LBB2_2-.Ltmp0, $4  }
0x9e: {  	[sflag:s25] =	ssyncset.done $0x0  }
0x9f: {  	[sflag:s25] =	ssyncadd.s32 $0xFFFFF000  }
0xa0: {  	_ =	swait.ge [sflag:s25], $0x1000  }
0xa1: {  	s19 =	simm.s32 $0x13C80;
	s1 =	sadd.s32 $0xFFFFFFFF, s0;
	[sflag:s25] =	ssyncset.done $0x0  }
.LBB2_1:
0xa2: {  	[sflag:s25] =	ssyncadd.s32 $0xFFFFF000  }
0xa3: {  	_ =	swait.ge [sflag:s25], $0x1000  }
0xa4: {  	[sflag:s25] =	ssyncset.done $0x0  }
0xa5: {  	[sflag:s25] =	ssyncadd.s32 $0xFFFFF000  }
0xa6: {  	_ =	swait.ge [sflag:s25], $0x1000  }
0xa7: {  	[sflag:s25] =	ssyncset.done $0x0  }
0xa8: {  	s0 =	rddreg [dreg:$0x4];
	[sflag:s25] =	ssyncadd.s32 $0xFFFFF000  }
0xa9: {  	[hbm4b:s0+s2] =	stream.linear.scatter [tilespmem:s5], [sflag:$0x2], $0x19000, $0x38;
	[tilespmem:$0x19C80] =	vst v63  }
0xaa: {  	_ =	swait.ge [sflag:s4], $0x19000  }
0xab: {  	[sflag:s4] =	ssyncset.done $0x0  }
0xac: {  	s16 =	rddreg [dreg:$0x3];
	[sflag:s4] =	ssyncadd.s32 $0xFFFE7000  }
0xad: {  	[tilespmem:s2], [sflag:$0x2] =	stream.linear.gather [hbm4b:s16+s2], $0xC80, $0x38;
	[tilespmem:$0x19C80] =	vst v63  }
0xae: {  	_ =	swait.ge [sflag:s4], $0xC80  }
0xaf: {  	s0 =	rddreg [dreg:$0x1b]  }
0xb0: {  	s7 =	rddreg [dreg:$0x19]  }
0xb1: {  	s8 =	rddreg [dreg:$0x17]  }
0xb2: {  	s9 =	rddreg [dreg:$0x15]  }
0xb3: {  	s10 =	rddreg [dreg:$0x13]  }
0xb4: {  	s11 =	rddreg [dreg:$0x11]  }
0xb5: {  	s12 =	rddreg [dreg:$0xf]  }
0xb6: {  	s13 =	rddreg [dreg:$0xd]  }
0xb7: {  	s14 =	rddreg [dreg:$0xb]  }
0xb8: {  	s15 =	rddreg [dreg:$0x6];
	[sflag:s4] =	ssyncset.done $0x0  }
0xb9: {  	s16 =	rddreg [dreg:$0x5];
	[sflag:s4] =	ssyncadd.s32 $0xFFFFF380  }
0xba: {  	[tilespmem:s5], [sflag:$0x1] =	stream.indirect.gather [hbm4b:s3+s6], $0x20, s2, s6, $0xb8;
	[tilespmem:$0x19C80] =	vst v63  }
0xbb: {  	s17 =	rddreg [dreg:$0x7]  }
0xbc: {  	[tilespmem:s16], [sflag:$0x1] =	stream.indirect.gather [hbm4b:s3+s6], $0x20, s6, s6, $0xb8;
	[tilespmem:$0x19C80] =	vst v63  }
0xbd: {  	s18 =	rddreg [dreg:$0x9]  }
0xbe: {  	[tilespmem:s17], [sflag:$0x1] =	stream.indirect.gather [hbm4b:s3+s6], $0x20, s15, s6, $0xb8;
	[tilespmem:$0x19C80] =	vst v63  }
0xbf: {  	s16 =	rddreg [dreg:$0x8]  }
0xc0: {  	[tilespmem:s18], [sflag:$0x1] =	stream.indirect.gather [hbm4b:s3+s6], $0x20, s16, s6, $0xb8;
	[tilespmem:$0x19C80] =	vst v63  }
0xc1: {  	s17 =	rddreg [dreg:$0xa]  }
0xc2: {  	[tilespmem:s14], [sflag:$0x1] =	stream.indirect.gather [hbm4b:s3+s6], $0x20, s17, s6, $0xb8;
	[tilespmem:$0x19C80] =	vst v63  }
0xc3: {  	s18 =	rddreg [dreg:$0xc]  }
0xc4: {  	[tilespmem:s13], [sflag:$0x1] =	stream.indirect.gather [hbm4b:s3+s6], $0x20, s18, s6, $0xb8;
	[tilespmem:$0x19C80] =	vst v63  }
0xc5: {  	s15 =	rddreg [dreg:$0xe]  }
0xc6: {  	[tilespmem:s12], [sflag:$0x1] =	stream.indirect.gather [hbm4b:s3+s6], $0x20, s15, s6, $0xb8;
	[tilespmem:$0x19C80] =	vst v63  }
0xc7: {  	s17 =	rddreg [dreg:$0x10]  }
0xc8: {  	[tilespmem:s11], [sflag:$0x1] =	stream.indirect.gather [hbm4b:s3+s6], $0x20, s17, s6, $0xb8;
	[tilespmem:$0x19C80] =	vst v63  }
0xc9: {  	s18 =	rddreg [dreg:$0x12]  }
0xca: {  	[tilespmem:s10], [sflag:$0x1] =	stream.indirect.gather [hbm4b:s3+s6], $0x20, s18, s6, $0xb8;
	[tilespmem:$0x19C80] =	vst v63  }
0xcb: {  	s13 =	rddreg [dreg:$0x14]  }
0xcc: {  	[tilespmem:s9], [sflag:$0x1] =	stream.indirect.gather [hbm4b:s3+s6], $0x20, s13, s6, $0xb8;
	[tilespmem:$0x19C80] =	vst v63  }
0xcd: {  	s14 =	rddreg [dreg:$0x16]  }
0xce: {  	[tilespmem:s8], [sflag:$0x1] =	stream.indirect.gather [hbm4b:s3+s6], $0x20, s14, s6, $0xb8;
	[tilespmem:$0x19C80] =	vst v63  }
0xcf: {  	s15 =	rddreg [dreg:$0x18]  }
0xd0: {  	[tilespmem:s7], [sflag:$0x1] =	stream.indirect.gather [hbm4b:s3+s6], $0x20, s15, s6, $0xb8;
	[tilespmem:$0x19C80] =	vst v63  }
0xd1: {  	s16 =	rddreg [dreg:$0x1a]  }
0xd2: {  	[tilespmem:s0], [sflag:$0x1] =	stream.indirect.gather [hbm4b:s3+s6], $0x20, s16, s6, $0xb8;
	[tilespmem:$0x19C80] =	vst v63  }
0xd3: {  	s17 =	rddreg [dreg:$0x1c];
	s18 =	simm.s32 $0xDC80  }
0xd4: {  	[tilespmem:s18], [sflag:$0x1] =	stream.indirect.gather [hbm4b:s3+s6], $0x20, s17, s6, $0xb8;
	[tilespmem:$0x19C80] =	vst v63  }
0xd5: {  	s9 =	simm.s32 $0xEC80;
	s8 =	simm.s32 $0x700  }
0xd6: {  	[tilespmem:s9], [sflag:$0x1] =	stream.indirect.gather [hbm4b:s3+s6], $0x20, s8, s6, $0xb8;
	[tilespmem:$0x19C80] =	vst v63  }
0xd7: {  	s11 =	simm.s32 $0xFC80;
	s10 =	simm.s32 $0x780  }
0xd8: {  	[tilespmem:s11], [sflag:$0x1] =	stream.indirect.gather [hbm4b:s3+s6], $0x20, s10, s6, $0xb8;
	[tilespmem:$0x19C80] =	vst v63  }
0xd9: {  	s12 =	simm.s32 $0x800;
	s13 =	simm.s32 $0x10C80  }
0xda: {  	[tilespmem:s13], [sflag:$0x1] =	stream.indirect.gather [hbm4b:s3+s6], $0x20, s12, s6, $0xb8;
	[tilespmem:$0x19C80] =	vst v63  }
0xdb: {  	s14 =	simm.s32 $0x880;
	s15 =	simm.s32 $0x11C80  }
0xdc: {  	[tilespmem:s15], [sflag:$0x1] =	stream.indirect.gather [hbm4b:s3+s6], $0x20, s14, s6, $0xb8;
	[tilespmem:$0x19C80] =	vst v63  }
0xdd: {  	s16 =	simm.s32 $0x900;
	s17 =	simm.s32 $0x12C80  }
0xde: {  	[tilespmem:s17], [sflag:$0x1] =	stream.indirect.gather [hbm4b:s3+s6], $0x20, s16, s6, $0xb8;
	[tilespmem:$0x19C80] =	vst v63  }
0xdf: {  	s18 =	simm.s32 $0x980  }
0xe0: {  	[tilespmem:s19], [sflag:$0x1] =	stream.indirect.gather [hbm4b:s3+s6], $0x20, s18, s6, $0xb8;
	[tilespmem:$0x19C80] =	vst v63  }
0xe1: {  	_ = 	snop  }
0xe2: {  	[tilespmem:s21], [sflag:$0x1] =	stream.indirect.gather [hbm4b:s3+s6], $0x20, s20, s6, $0xb8;
	[tilespmem:$0x19C80] =	vst v63  }
0xe3: {  	_ = 	snop  }
0xe4: {  	[tilespmem:s23], [sflag:$0x1] =	stream.indirect.gather [hbm4b:s3+s6], $0x20, s22, s6, $0xb8;
	[tilespmem:$0x19C80] =	vst v63  }
0xe5: {  	_ = 	snop  }
0xe6: {  	[tilespmem:s26], [sflag:$0x1] =	stream.indirect.gather [hbm4b:s3+s6], $0x20, s24, s6, $0xb8;
	[tilespmem:$0x19C80] =	vst v63  }
0xe7: {  	_ = 	snop  }
0xe8: {  	[tilespmem:s29], [sflag:$0x1] =	stream.indirect.gather [hbm4b:s3+s6], $0x20, s28, s6, $0xb8;
	[tilespmem:$0x19C80] =	vst v63  }
0xe9: {  	_ = 	snop  }
0xea: {  	[tilespmem:s31], [sflag:$0x1] =	stream.indirect.gather [hbm4b:s3+s6], $0x20, s30, s6, $0xb8;
	[tilespmem:$0x19C80] =	vst v63  }
0xeb: {  	_ =	swait.ge [sflag:s25], $0x1000  }
0xec: {  	[sflag:s25] =	ssyncset.done $0x0  }
0xed: {  	[sflag:s25] =	ssyncadd.s32 $0xFFFFF000  }
0xee: {  	_ =	swait.ge [sflag:s25], $0x1000  }
0xef: {  	[sflag:s25] =	ssyncset.done $0x0  }
0xf0: {  	[sflag:s25] =	ssyncadd.s32 $0xFFFFF000  }
0xf1: {  	_ =	swait.ge [sflag:s25], $0x1000  }
0xf2: {  	[sflag:s25] =	ssyncset.done $0x0  }
0xf3: {  	[sflag:s25] =	ssyncadd.s32 $0xFFFFF000  }
0xf4: {  	_ =	swait.ge [sflag:s25], $0x1000  }
0xf5: {  	[sflag:s25] =	ssyncset.done $0x0  }
0xf6: {  	[sflag:s25] =	ssyncadd.s32 $0xFFFFF000  }
0xf7: {  	_ =	swait.ge [sflag:s25], $0x1000  }
0xf8: {  	[sflag:s25] =	ssyncset.done $0x0  }
0xf9: {  	[sflag:s25] =	ssyncadd.s32 $0xFFFFF000  }
0xfa: {  	_ =	swait.ge [sflag:s25], $0x1000  }
0xfb: {  	[sflag:s25] =	ssyncset.done $0x0  }
0xfc: {  	[sflag:s25] =	ssyncadd.s32 $0xFFFFF000  }
0xfd: {  	_ =	swait.ge [sflag:s25], $0x1000  }
0xfe: {  	[sflag:s25] =	ssyncset.done $0x0  }
0xff: {  	[sflag:s25] =	ssyncadd.s32 $0xFFFFF000  }
0x100: {  	_ =	swait.ge [sflag:s25], $0x1000  }
0x101: {  	[sflag:s25] =	ssyncset.done $0x0  }
0x102: {  	[sflag:s25] =	ssyncadd.s32 $0xFFFFF000  }
0x103: {  	_ =	swait.ge [sflag:s25], $0x1000  }
0x104: {  	[sflag:s25] =	ssyncset.done $0x0  }
0x105: {  	[sflag:s25] =	ssyncadd.s32 $0xFFFFF000  }
0x106: {  	_ =	swait.ge [sflag:s25], $0x1000  }
0x107: {  	[sflag:s25] =	ssyncset.done $0x0  }
0x108: {  	[sflag:s25] =	ssyncadd.s32 $0xFFFFF000  }
0x109: {  	_ =	swait.ge [sflag:s25], $0x1000  }
0x10a: {  	[sflag:s25] =	ssyncset.done $0x0  }
0x10b: {  	[sflag:s25] =	ssyncadd.s32 $0xFFFFF000  }
0x10c: {  	_ =	swait.ge [sflag:s25], $0x1000  }
0x10d: {  	[sflag:s25] =	ssyncset.done $0x0  }
0x10e: {  	[sflag:s25] =	ssyncadd.s32 $0xFFFFF000  }
0x10f: {  	_ =	swait.ge [sflag:s25], $0x1000  }
0x110: {  	[sflag:s25] =	ssyncset.done $0x0  }
0x111: {  	[sflag:s25] =	ssyncadd.s32 $0xFFFFF000  }
0x112: {  	_ =	swait.ge [sflag:s25], $0x1000  }
0x113: {  	[sflag:s25] =	ssyncset.done $0x0  }
0x114: {  	[sflag:s25] =	ssyncadd.s32 $0xFFFFF000  }
0x115: {  	_ =	swait.ge [sflag:s25], $0x1000  }
0x116: {  	[sflag:s25] =	ssyncset.done $0x0  }
0x117: {  	[sflag:s25] =	ssyncadd.s32 $0xFFFFF000  }
0x118: {  	_ =	swait.ge [sflag:s25], $0x1000  }
0x119: {  	[sflag:s25] =	ssyncset.done $0x0  }
0x11a: {  	[sflag:s25] =	ssyncadd.s32 $0xFFFFF000  }
0x11b: {  	_ =	swait.ge [sflag:s25], $0x1000  }
0x11c: {  	[sflag:s25] =	ssyncset.done $0x0  }
0x11d: {  	[sflag:s25] =	ssyncadd.s32 $0xFFFFF000  }
0x11e: {  	_ =	swait.ge [sflag:s25], $0x1000  }
0x11f: {  	[sflag:s25] =	ssyncset.done $0x0  }
0x120: {  	[sflag:s25] =	ssyncadd.s32 $0xFFFFF000  }
0x121: {  	_ =	swait.ge [sflag:s25], $0x1000  }
0x122: {  	[sflag:s25] =	ssyncset.done $0x0  }
0x123: {  	[sflag:s25] =	ssyncadd.s32 $0xFFFFF000  }
0x124: {  	_ =	swait.ge [sflag:s25], $0x1000  }
0x125: {  	[sflag:s25] =	ssyncset.done $0x0  }
0x126: {  	[sflag:s25] =	ssyncadd.s32 $0xFFFFF000  }
0x127: {  	_ =	swait.ge [sflag:s25], $0x1000  }
0x128: {  	[sflag:s25] =	ssyncset.done $0x0  }
0x129: {  	p0 =	sne.s32 s1, $0x1;
	[sflag:s25] =	ssyncadd.s32 $0xFFFFF000  }
.Ltmp1:
0x12a: {  	_ =	swait.ge [sflag:s25], $0x1000;
	(pc) =	sbr.rel @p0 .LBB2_1-.Ltmp1, $4  }
0x12b: {  	[sflag:s25] =	ssyncset.done $0x0  }
0x12c: {  	[sflag:s25] =	ssyncadd.s32 $0xFFFFF000  }
0x12d: {  	_ =	swait.ge [sflag:s25], $0x1000  }
0x12e: {  	s1 =	sadd.s32 $0xFFFFFFFF, s1;
	[sflag:s25] =	ssyncset.done $0x0  }
.LBB2_2:
0x12f: {  	[sflag:s25] =	ssyncadd.s32 $0xFFFFF000  }
0x130: {  	_ =	swait.ge [sflag:s25], $0x1000  }
0x131: {  	[sflag:s25] =	ssyncset.done $0x0  }
0x132: {  	[sflag:s25] =	ssyncadd.s32 $0xFFFFF000  }
0x133: {  	_ =	swait.ge [sflag:s25], $0x1000  }
0x134: {  	[sflag:s25] =	ssyncset.done $0x0  }
0x135: {  	s0 =	rddreg [dreg:$0x4];
	[sflag:s25] =	ssyncadd.s32 $0xFFFFF000  }
0x136: {  	[hbm4b:s0+s2] =	stream.linear.scatter [tilespmem:s5], [sflag:$0x2], $0x19000, $0x38;
	[tilespmem:$0x19C80] =	vst v63  }
0x137: {  	_ =	swait.ge [sflag:s4], $0x19000  }
0x138: {  	[sflag:s4] =	ssyncset.done $0x0  }
0x139: {  	[sflag:s4] =	ssyncadd.s32 $0xFFFE7000  }
0x13a: {  	_ =	sfence.sel $0x180000  }
0x13b: {  	[bflag:$0x0] =	sbarrier.arrive $0xFFFF  }
0x13c: {  	_ =	strace $0x90000047  }
0x13d: {  	s31 =	stileid.u32;
	[bflag:$0x2] =	sbarrier.arrive $0xFFFF  }
0x13e: {  	p0 =	sne.s32 s31, $0x0;
	s0 =	rddreg [dreg:$0x2]  }
0x13f: {  	s0 =	sadd.s32 @!p0 $0x100000, s0  }
0x140: {  	[sflag:s0] =	ssyncadd.tile.s32 @!p0 $0x1;
	_ =	shalt  }
.Lfunc_end2:
_tile_overlayer_lowered:
.L_overlay_start_2:
0x141: {  	(tag) =	ssettag $0x2  }
0x142: {  	s0 =	rddreg [dreg:$0x0];
	s2 =	stileid.u32  }
0x143: {  	s1 =	rddreg [dreg:$0x1];
	p0 =	sne.s32 s2, $0x0  }
0x144: {  	s3 =	rddreg [dreg:$0x2];
	[bflag:$0x3] =	sbarrier.arrive $0xFFFF;
	s2 =	simm.s32 @!p0 $0x1C02  }
0x145: {  	[timem:s3], [sflag:s2] =	dma.local @!p0 [hbm:s0], s1  }
0x146: {  	s0 =	simm.s32 @!p0 $0x2  }
0x147: {  	_ =	swait.ge @!p0 [sflag:s0], s1  }
0x148: {  	s1 =	ssub.s32 @!p0 $0x0, s1;
	[sflag:s0] =	ssyncset.done @!p0 $0x0  }
0x149: {  	[sflag:s0] =	ssyncadd.s32 @!p0 s1  }
0x14a: {  	[bflag:$0x3] =	sbarrier.arrive $0xFFFF  }
0x14b: {  	_ =	shalt  }

// kernel: kernel.9.cloned.1.call-start
scs
__scs_entry_jumppad:
0x0: {  	(pc) =	sbr.rel $0x88, $3  }
0x1: {  	(tag) =	ssettag $0x0;
	lr =	simm.s32 $0x1  }
0x2: {  	[smem:$0x3F96] =	sst lr;
	_ =	strace $0xD0000000  }
0x3: {  	_ = 	snop  }
0x4: {  	_ = 	snop  }
0x5: {  	_ = 	snop  }
0x6: {  	_ = 	snop  }
0x7: {  	_ = 	snop  }
__scs_overlays_trampoline_lowered:
0x8: {  	[smem:$0x3FA5] =	sst s0  }
0x9: {  	[smem:$0x3FA6] =	sst s1  }
0xa: {  	[smem:$0x3FA7] =	sst s2  }
0xb: {  	[smem:$0x3FA8] =	sst s3  }
0xc: {  	[smem:$0x3FA9] =	sst s4  }
0xd: {  	[smem:$0x3FAA] =	sst s5  }
0xe: {  	[smem:$0x3FAB] =	sst s6  }
0xf: {  	[smem:$0x3FAC] =	sst s7  }
0x10: {  	[smem:$0x3FAD] =	sst s8  }
0x11: {  	[smem:$0x3FAE] =	sst s9;
	s0 =	simm.s32 @!p0 $0x0  }
0x12: {  	s1 =	sld [smem:$0x3F94];
	s0 =	simm.s32 @p0 $0x1  }
0x13: {  	[smem:$0x3FAF] =	sst s0;
	s0 =	simm.s32 @!p1 $0x0  }
0x14: {  	s2 =	sld [smem:$0x3F93];
	s0 =	simm.s32 @p1 $0x1  }
0x15: {  	[smem:$0x3FB0] =	sst s0;
	s0 =	simm.s32 @!p2 $0x0  }
0x16: {  	s3 =	sld [smem:$0x3FDB];
	s0 =	simm.s32 @p2 $0x1  }
0x17: {  	s4 =	simm.s32 $0x1BF5;
	[smem:$0x3FB2] =	sst s0  }
0x18: {  	s0 =	sld [smem:$0x3F95];
	_ =	swait.ge [sflag:s4], $0x0  }
0x19: {  	s7 =	sld [smem:$0x3F96]  }
0x1a: {  	s8 =	sadd.s32 $0xFFFFE003, lr  }
0x1b: {  	s9 =	sadd.s32 $0xFFFFFEF7, lr;
	s5 =	simm.s32 $0xFFFFFFFF;
	p2 =	slt.u32 s8, $0xFFFFF086  }
0x1c: {  	p1 =	slt.u32 s9, $0xF7A;
	s5 =	simm.s32 @!p2 $0x0  }
0x1d: {  	s5 =	simm.s32 @p1 $0x1;
	p0 =	seq.s32 s7, s2  }
0x1e: {  	s7 =	smul.u32 @!p0 $0xF7A, s2;
	p2 =	seq.s32 @!p0 s5, $0x0  }
0x1f: {  	s9 =	smul.u32 $0xF7A, s1;
	s8 =	simm.s32 @!p0 $0x1BF5;
	p2 =	por !p2, p0  }
0x20: {  	[sflag:s8] =	ssyncset.s32 @!p0 $0xFFFFF086;
	s6 =	sadd.s32 @!p0 s3, s7;
	s7 =	simm.s32 @!p0 $0x108  }
0x21: {  	s3 =	sadd.s32 s3, s9;
	s6 =	sadd.s32 @!p0 $0x88, s6;
	s7 =	simm.s32 @p2 $0x1082  }
0x22: {  	[simem:s7], [sflag:s8] =	dma.local @!p0 [hbm:s6], $0xF7A  }
0x23: {  	s9 =	sor.u32 $0xD0000000, s2;
	s6 =	simm.s32 $0x108;
	_ =	swait.ge @!p0 [sflag:s8], $0x0  }
0x24: {  	s3 =	sadd.s32 $0x88, s3;
	s6 =	simm.s32 @!p1 $0x1082;
	[sflag:s4] =	ssyncset.s32 $0xFFFFF086  }
0x25: {  	[simem:s6], [sflag:s4] =	dma.local [hbm:s3], $0xF7A  }
0x26: {  	[smem:$0x3F96] =	sst s1;
	(tag) =	ssettag s2;
	_ =	strace s9  }
0x27: {  	s1 =	sld [smem:$0x3FA6]  }
0x28: {  	s2 =	sld [smem:$0x3FA7]  }
0x29: {  	s4 =	sld [smem:$0x3FA9]  }
0x2a: {  	p0 =	seq.s32 s5, $0x0;
	s5 =	sld [smem:$0x3FAA]  }
0x2b: {  	s6 =	sld [smem:$0x3FAB]  }
0x2c: {  	s7 =	sld [smem:$0x3FAC]  }
0x2d: {  	s3 =	simm.s32 $0x108;
	s8 =	sld [smem:$0x3FAD]  }
0x2e: {  	s3 =	simm.s32 @!p0 $0x1082;
	s9 =	sld [smem:$0x3FAE]  }
0x2f: {  	lr =	sadd.s32 s0, s3;
	s0 =	sld [smem:$0x3FA5]  }
0x30: {  	s3 =	sld [smem:$0x3FA8]  }
0x31: {  	[smem:$0x3FB1] =	sst s10  }
0x32: {  	s10 =	sld [smem:$0x3FAF];
	_ =	sdelay $0x3  }
0x33: {  	p0 =	seq.s32 s10, $0x1;
	s10 =	sld [smem:$0x3FB1];
	_ =	sdelay $0x3  }
0x34: {  	[smem:$0x3FB1] =	sst s10  }
0x35: {  	s10 =	sld [smem:$0x3FB0];
	_ =	sdelay $0x3  }
0x36: {  	p1 =	seq.s32 s10, $0x1;
	s10 =	sld [smem:$0x3FB1];
	_ =	sdelay $0x3  }
0x37: {  	[smem:$0x3FB1] =	sst s10  }
0x38: {  	s10 =	sld [smem:$0x3FB2]  }
0x39: {  	_ = 	snop;
	(pc) =	sbr.ind lr, $3  }
0x3a: {  	_ = 	snop  }
0x3b: {  	_ = 	snop  }
0x3c: {  	p2 =	seq.s32 s10, $0x1;
	s10 =	sld [smem:$0x3FB1]  }
0x3d: {  	_ =	shalt  }
0x3e: {  	_ =	shalt  }
0x3f: {  	_ =	shalt  }
0x40: {  	_ =	shalt  }
0x41: {  	_ =	shalt  }
0x42: {  	_ =	shalt  }
0x43: {  	_ =	shalt  }
0x44: {  	_ =	shalt  }
0x45: {  	_ =	shalt  }
0x46: {  	_ =	shalt  }
0x47: {  	_ =	shalt  }
0x48: {  	_ =	shalt  }
0x49: {  	_ =	shalt  }
0x4a: {  	_ =	shalt  }
0x4b: {  	_ =	shalt  }
0x4c: {  	_ =	shalt  }
0x4d: {  	_ =	shalt  }
0x4e: {  	_ =	shalt  }
0x4f: {  	_ =	shalt  }
0x50: {  	_ =	shalt  }
0x51: {  	_ =	shalt  }
0x52: {  	_ =	shalt  }
0x53: {  	_ =	shalt  }
0x54: {  	_ =	shalt  }
0x55: {  	_ =	shalt  }
0x56: {  	_ =	shalt  }
0x57: {  	_ =	shalt  }
0x58: {  	_ =	shalt  }
0x59: {  	_ =	shalt  }
0x5a: {  	_ =	shalt  }
0x5b: {  	_ =	shalt  }
0x5c: {  	_ =	shalt  }
0x5d: {  	_ =	shalt  }
0x5e: {  	_ =	shalt  }
0x5f: {  	_ =	shalt  }
0x60: {  	_ =	shalt  }
0x61: {  	_ =	shalt  }
0x62: {  	_ =	shalt  }
0x63: {  	_ =	shalt  }
0x64: {  	_ =	shalt  }
0x65: {  	_ =	shalt  }
0x66: {  	_ =	shalt  }
0x67: {  	_ =	shalt  }
0x68: {  	_ =	shalt  }
0x69: {  	_ =	shalt  }
0x6a: {  	_ =	shalt  }
0x6b: {  	_ =	shalt  }
0x6c: {  	_ =	shalt  }
0x6d: {  	_ =	shalt  }
0x6e: {  	_ =	shalt  }
0x6f: {  	_ =	shalt  }
0x70: {  	_ =	shalt  }
0x71: {  	_ =	shalt  }
0x72: {  	_ =	shalt  }
0x73: {  	_ =	shalt  }
0x74: {  	_ =	shalt  }
0x75: {  	_ =	shalt  }
0x76: {  	_ =	shalt  }
0x77: {  	_ =	shalt  }
0x78: {  	_ =	shalt  }
0x79: {  	_ =	shalt  }
0x7a: {  	_ =	shalt  }
0x7b: {  	_ =	shalt  }
0x7c: {  	_ =	shalt  }
0x7d: {  	_ =	shalt  }
0x7e: {  	_ =	shalt  }
0x7f: {  	_ =	shalt  }
0x80: {  	_ =	shalt  }
0x81: {  	_ =	shalt  }
0x82: {  	_ =	shalt  }
0x83: {  	_ =	shalt  }
0x84: {  	_ =	shalt  }
0x85: {  	_ =	shalt  }
0x86: {  	_ =	shalt  }
0x87: {  	_ =	shalt  }
.Lfunc_end0:
.L_simem_size_0:
called_computation.1_lowered:
.L_overlay_start_0:
0x88: {  	s2 =	sld [smem:$0x3FD9]  }
0x89: {  	s3 =	sld [smem:$0x3FFE];
	_ =	sdelay $0x1  }
0x8a: {  	s1 =	srdreg.scid  }
0x8b: {  	s0 =	sand.u32 $0x1, s1  }
0x8c: {  	s17 =	sshll.u32 s0, $0xA;
	s2 =	sadd.s32 s3, s2  }
0x8d: {  	s2 =	sadd.s32 s2, s17  }
0x8e: {  	[smem:$0x3FBD] =	sst s2  }
0x8f: {  	_ = 	snop  }
0x90: {  	s2 =	sld [smem:$0x3FD0];
	(tm) =	ssettm $0x1  }
0x91: {  	s18 =	sld [smem:$0x3FFB];
	_ =	sdelay $0x3  }
0x92: {  	_ =	strace s18  }
0x93: {  	s3 =	sld [smem:$0x3FFC];
	_ =	sdelay $0x3  }
0x94: {  	_ =	strace s3  }
0x95: {  	s3 =	sld [smem:$0x3FFD];
	_ =	sdelay $0x3  }
0x96: {  	_ =	strace s3  }
0x97: {  	_ =	strace $0x8FFFFFFF  }
0x98: {  	s19 =	sld [smem:$0x3FDB];
	_ =	sdelay $0x1  }
0x99: {  	s4 =	simm.s32 $_scs_section_size  }
0x9a: {  	s5 =	simm.s32 $_size__tile_overlayer_lowered;
	s6 =	simm.s32 $_tile_overlayer_lowered  }
0x9b: {  	s22 =	simm.s32 $0x1BFF;
	s21 =	sshll.u32 s6, $0x1;
	s3 =	sadd.s32 s4, s19  }
0x9c: {  	s7 =	simm.s32 $0x0;
	s20 =	sshll.u32 s5, $0x1;
	s5 =	sadd.s32 s21, s3  }
0x9d: {  	[timem:s7], [sflag:s22] =	dma.local [hbm:s5], s20  }
0x9e: {  	_ =	swait.ge [sflag:s22], s20  }
0x9f: {  	s4 =	ssub.s32 $0x0, s20;
	[sflag:s22] =	ssyncset.done $0x0  }
0xa0: {  	[sflag:s22] =	ssyncadd.s32 s4;
	_ =	sdelay $0x1  }
0xa1: {  	s23 =	simm.s32 $0x1B8B  }
0xa2: {  	_ =	swait.ge [sflag:s23], $0x1  }
0xa3: {  	[sflag:s23] =	ssyncset.done $0x0  }
0xa4: {  	s25 =	simm.s32 $0x1B8E;
	s24 =	sld [smem:$0x3FFE];
	[sflag:s23] =	ssyncadd.s32 $0xFFFFFFFF  }
0xa5: {  	s26 =	simm.s32 $execute0_lowered;
	[smem:$0x3FD2] =	sst s25  }
0xa6: {  	s5 =	sshll.u32 s26, $0x1;
	_ =	strace $0x80000049;
	[dreg:$0x1] =	wrdreg $0xFFFFFFFF  }
0xa7: {  	s28 =	simm.s32 $_size_execute0_lowered;
	s3 =	sadd.s32 s3, s5;
	[dreg:$0x0] =	wrdreg $0x0  }
0xa8: {  	s5 =	sshll.u32 s28, $0x1;
	[dreg:$0x2] =	wrdreg s3  }
0xa9: {  	[dreg:$0x3] =	wrdreg s5  }
0xaa: {  	[dreg:$0x4] =	wrdreg $0xC0  }
0xab: {  	_ =	task [dreg:s7], $0x5FFFF  }
0xac: {  	[dreg:$0x1] =	wrdreg $0xFFFFFFFF  }
0xad: {  	[dreg:$0x0] =	wrdreg $0x60  }
0xae: {  	[dreg:$0x2] =	wrdreg s24  }
0xaf: {  	[dreg:$0x3] =	wrdreg s2  }
0xb0: {  	[dreg:$0x4] =	wrdreg $0x194400  }
0xb1: {  	[dreg:$0x5] =	wrdreg $0x9  }
0xb2: {  	_ =	task.clear_ibuf [dreg:s7], $0x6FFFF;
	_ =	strace $0x90000049  }
0xb3: {  	s29 =	simm.s32 $0x9;
	_ =	strace $0x8000004B  }
0xb4: {  	_ =	swait.ge [sflag:s29], $0x1  }
0xb5: {  	[sflag:s29] =	ssyncadd.s32 $0xFFFFFFFF  }
0xb6: {  	_ =	strace $0x9000004B  }
0xb7: {  	_ =	sfence  }
0xb8: {  	s30 =	sld [smem:$0x0];
	_ =	sdelay $0x2  }
0xb9: {  	s31 =	sshll.u32 s1, $0xD;
	s1 =	sshrl.u32 s1, $0x2  }
0xba: {  	s3 =	sand.u32 $0x4000, s31;
	s1 =	sadd.s32 s1, s30  }
0xbb: {  	s0 =	sor.u32 s3, s0;
	s1 =	sshll.u32 s1, $0x11  }
0xbc: {  	s0 =	sor.u32 s1, s0  }
0xbd: {  	s0 =	sadd.s32 $0x8F2B, s0  }
0xbe: {  	[sflag:s0] =	ssyncadd.remote.s32 $0x1  }
0xbf: {  	_ =	sfence.sel $0xFFFF  }
0xc0: {  	[dreg:$0x0] =	wrdreg $0xFFFFFFFF;
	(pc) =	sbr.abs _section_cstart, $3  }
0xc1: {  	[dreg:$0x1] =	wrdreg $0xFFFFFFFF  }
0xc2: {  	_ =	task.clear_ibuf [dreg:s7], $0x2FFFF;
	_ =	strace $0x9FFFFFFF  }
0xc3: {  	(tm) =	ssettm $0x7FFFFFFF  }
tec
execute0_lowered:
.L_overlay_start_1:
0x0: {  	(tag) =	ssettag $0x1  }
0x1: {  	s4 =	rddreg [dreg:$0x0]  }
0x2: {  	s0 =	srdreg.scid;
	s1 =	rddreg [dreg:$0x1]  }
0x3: {  	s13 =	stileid.u32;
	s2 =	rddreg [dreg:$0x2];
	s3 =	simm.s32 $0x0  }
0x4: {  	s15 =	simm.s32 $0x0;
	s5 =	sand.u32 $0x1, s0;
	s0 =	rddreg [dreg:$0x3]  }
0x5: {  	s29 =	sshll.u32 s13, $0x1;
	[smem:$0x7FF] =	sst s3;
	s9 =	smul.u32 $0x1F400, s13  }
0x6: {  	s11 =	sadd.s32 $0x4E200, s2;
	s6 =	sor.u32 s5, s29;
	s8 =	smul.u32 $0x9C40, s5  }
0x7: {  	p0 =	sgt.u32 s13, $0x9;
	_ =	strace $0x8000004A;
	s7 =	smul.u32 $0x3100, s6  }
0x8: {  	s5 =	ssub.s32 $0x2, s5;
	p1 =	sne.s32 @p0 s13, $0xA;
	s6 =	smul.u32 $0x188, s6  }
0x9: {  	s30 =	sshrl.u32 s5, $0x1;
	s31 =	sshrl.u32 s9, $0x2;
	p2 =	por p1, !p0  }
0xa: {  	s9 =	simm.s32 $0xC40;
	p1 =	sne.s32 s13, $0x0;
	s8 =	sadd.s32 s8, s4  }
0xb: {  	s10 =	ssub.s32 s5, s30;
	s12 =	sadd.s32 s31, s2;
	s14 =	sshrl.u32 @!p1 s2, $0x3  }
0xc: {  	s7 =	sadd.s32 s7, s4;
	s6 =	sadd.s32 s6, s4;
	s12 =	sshrl.u32 @!p0 s12, $0x3  }
0xd: {  	s4 =	sadd.s32 $0x68C00, s6;
	s5 =	sadd.s32 $0x1A00, s7;
	s6 =	sadd.s32 $0x6BE00, s8  }
0xe: {  	s7 =	smax.u32 s10, $0x1;
	s10 =	sshrl.u32 @!p2 s11, $0x3;
	s11 =	sshll.u32 @!p0 s13, $0x6  }
0xf: {  	s8 =	simm.s32 $0x1;
	s13 =	simm.s32 $0x70;
	s11 =	sor.u32 @!p0 $0x1C01, s11  }
.LBB2_1:
0x10: {  	[tilespmem:s3], [sflag:$0x1] =	stream.linear.gather [hbm4b:s4+s3], $0xC40, $0x38;
	[tilespmem:$0x1E270] =	vst v63  }
0x11: {  	_ =	swait.ge [sflag:s8], $0xC40  }
0x12: {  	[sflag:s8] =	ssyncset.done $0x0  }
0x13: {  	[sflag:s8] =	ssyncadd.s32 $0xFFFFF3C0  }
0x14: {  	[tilespmem:s9], [sflag:$0x1] =	stream.linear.gather [hbm4b:s5+s3], $0x18800, $0x38;
	[tilespmem:$0x1E270] =	vst v63  }
0x15: {  	_ =	swait.ge [sflag:s8], $0x18800  }
0x16: {  	[sflag:s8] =	ssyncset.done $0x0  }
0x17: {  	s16 =	simm.s32 @!p2 $0x1E81;
	[sflag:s8] =	ssyncadd.s32 $0xFFFE7800  }
0x18: {  	[spmem:s10], [sflag:s16] =	dma.local @!p2 [hbm:s1], $0x20  }
0x19: {  	s16 =	simm.s32 @!p2 $0x1  }
0x1a: {  	_ =	swait.ge @!p2 [sflag:s16], $0x20  }
0x1b: {  	[sflag:s16] =	ssyncset.done @!p2 $0x0  }
0x1c: {  	[sflag:s16] =	ssyncadd.s32 @!p2 $0xFFFFFFE0;
	s16 =	simm.s32 @!p0 $0x1  }
0x1d: {  	[spmem:s12], [sflag:s11] =	dma.local @!p0 [hbm:s1], $0xFA0  }
0x1e: {  	_ =	swait.ge @!p0 [sflag:s16], $0xFA0  }
0x1f: {  	[sflag:s16] =	ssyncset.done @!p0 $0x0  }
0x20: {  	[sflag:s16] =	ssyncadd.s32 @!p0 $0xFFFFF060  }
0x21: {  	s31 =	simm.s32 $0x0;
	[bflag:$0x0] =	sbarrier.arrive $0xFFFF  }
0x22: {  	[spmem:s2] =	stream.indirect.scatter.add.f32 [tilespmem:s9], [sflag:$0x1], $0x20, s31, s13, $0xb8;
	[tilespmem:$0x1E270] =	vst v63  }
0x23: {  	_ =	swait.ge [sflag:s8], $0xE00  }
0x24: {  	s17 =	simm.s32 $0xC40;
	s16 =	simm.s32 $0x1C0;
	[sflag:s8] =	ssyncset.done $0x0  }
.LBB2_2:
0x25: {  	s18 =	sshra.s32 s16, $0x2  }
0x26: {  	[sflag:s8] =	ssyncadd.s32 $0xFFFFF200;
	s17 =	sadd.s32 $0xE00, s17;
	p3 =	sne.s32 s16, $0x2F40  }
0x27: {  	[spmem:s2] =	stream.indirect.scatter.add.f32 [tilespmem:s17], [sflag:$0x1], $0x20, s18, s13, $0xb8;
	[tilespmem:$0x1E270] =	vst v63  }
.Ltmp0:
0x28: {  	_ = 	snop;
	(pc) =	sbr.rel @p3 .LBB2_2-.Ltmp0, $4  }
0x29: {  	_ = 	snop  }
0x2a: {  	s16 =	sadd.s32 $0x1C0, s16  }
0x2b: {  	_ =	swait.ge [sflag:s8], $0xE00  }
0x2c: {  	[sflag:s8] =	ssyncset.done $0x0  }
0x2d: {  	[sflag:s8] =	ssyncadd.s32 $0xFFFFF200;
	s15 =	sadd.s32 $0x1, s15  }
0x2e: {  	s16 =	simm.s32 @!p1 $0x1C01;
	[bflag:$0x0] =	sbarrier.arrive $0xFFFF;
	p3 =	sne.s32 s15, s7  }
0x2f: {  	[hbm:s6], [sflag:s16] =	dma.local @!p1 [spmem:s14], $0x9C40  }
.Ltmp1:
0x30: {  	_ = 	snop;
	(pc) =	sbr.rel @p3 .LBB2_1-.Ltmp1, $4  }
0x31: {  	s16 =	simm.s32 @!p1 $0x1  }
0x32: {  	_ =	swait.ge @!p1 [sflag:s16], $0x9C40  }
0x33: {  	[sflag:s16] =	ssyncset.done @!p1 $0x0  }
0x34: {  	[sflag:s16] =	ssyncadd.s32 @!p1 $0xFFFF63C0  }
0x35: {  	_ =	sfence.sel $0x180000  }
0x36: {  	[bflag:$0x0] =	sbarrier.arrive $0xFFFF  }
0x37: {  	_ =	strace $0x9000004A  }
0x38: {  	s0 =	sadd.s32 @!p1 $0x100000, s0;
	[bflag:$0x2] =	sbarrier.arrive $0xFFFF  }
0x39: {  	[sflag:s0] =	ssyncadd.tile.s32 @!p1 $0x1;
	_ =	shalt  }
.Lfunc_end2:
_tile_overlayer_lowered:
.L_overlay_start_2:
0x3a: {  	(tag) =	ssettag $0x2  }
0x3b: {  	s0 =	rddreg [dreg:$0x0];
	s2 =	stileid.u32  }
0x3c: {  	s1 =	rddreg [dreg:$0x1];
	p0 =	sne.s32 s2, $0x0  }
0x3d: {  	s3 =	rddreg [dreg:$0x2];
	[bflag:$0x3] =	sbarrier.arrive $0xFFFF;
	s2 =	simm.s32 @!p0 $0x1C01  }
0x3e: {  	[timem:s3], [sflag:s2] =	dma.local @!p0 [hbm:s0], s1  }
0x3f: {  	s0 =	simm.s32 @!p0 $0x1  }
0x40: {  	_ =	swait.ge @!p0 [sflag:s0], s1  }
0x41: {  	s1 =	ssub.s32 @!p0 $0x0, s1;
	[sflag:s0] =	ssyncset.done @!p0 $0x0  }
0x42: {  	[sflag:s0] =	ssyncadd.s32 @!p0 s1  }
0x43: {  	[bflag:$0x3] =	sbarrier.arrive $0xFFFF  }
0x44: {  	_ =	shalt  }

</sc_bundles>
